<compile_context>
chip_gen: v7x
topology: tpu7x:2x2x1
jax: 0.10.2.dev20260603
libtpu: 0.0.44.dev20260713+nightly
codegen_flags: <defaults>
</compile_context>

<pallas_src>
import functools

import jax
import jax.numpy as jnp
from jax import lax
from jax.experimental import pallas as pl
from jax.experimental.pallas import tpu as pltpu
from jax.experimental.pallas import tpu_sc as plsc

B = 16384
F = 26
N = B * F
NW = 32
CHUNK = N // NW
PERIOD = 208
GROUPS = CHUNK // PERIOD
VECS = PERIOD // 16


def _make_sc_call():
    mesh = plsc.VectorSubcoreMesh(core_axis_name="c", subcore_axis_name="s")

    @functools.partial(
        pl.kernel,
        mesh=mesh,
        out_type=jax.ShapeDtypeStruct((N,), jnp.float32),
        scratch_types=[
            pltpu.VMEM((CHUNK,), jnp.int32),
            pltpu.VMEM((CHUNK,), jnp.float32),
            pltpu.VMEM((PERIOD,), jnp.int32),
            pltpu.SemaphoreType.DMA,
            pltpu.SemaphoreType.DMA,
        ],
    )
    def sc_gather(x_hbm, pat_hbm, table_hbm, out_hbm, idx_v, rows_v, pat_v,
                  sem0, sem1):
        wid = lax.axis_index("s") * 2 + lax.axis_index("c")
        base = wid * CHUNK
        half = CHUNK // 2
        pltpu.sync_copy(x_hbm.at[pl.ds(base, CHUNK)], idx_v)
        pltpu.sync_copy(pat_hbm, pat_v)

        def add_group(g, carry):
            s = g * PERIOD
            for v in range(VECS):
                sl = pl.ds(s + v * 16, 16)
                idx_v[sl] = idx_v[sl] + pat_v[pl.ds(v * 16, 16)]
            return carry

        lax.fori_loop(0, GROUPS // 2, add_group, 0, unroll=False)
        g0 = pltpu.async_copy(
            table_hbm.at[idx_v.at[pl.ds(0, half)]],
            rows_v.at[pl.ds(0, half)], sem0)
        lax.fori_loop(GROUPS // 2, GROUPS, add_group, 0, unroll=False)
        g1 = pltpu.async_copy(
            table_hbm.at[idx_v.at[pl.ds(half, half)]],
            rows_v.at[pl.ds(half, half)], sem1)
        g0.wait()
        pltpu.sync_copy(rows_v.at[pl.ds(0, half)],
                        out_hbm.at[pl.ds(base, half)])
        g1.wait()
        pltpu.sync_copy(rows_v.at[pl.ds(half, half)],
                        out_hbm.at[pl.ds(base + half, half)])

    return sc_gather


_SC_GATHER = _make_sc_call()


def kernel(x, table, offsets):
    x_flat = x.reshape(-1)
    table_flat = table[:, 0]
    pat = jnp.tile(offsets, PERIOD // F)
    out_flat = _SC_GATHER(x_flat, pat, table_flat)
    return out_flat.reshape(B, F)

# --- scband reference (transcript-rebuilt; emitter-appended) ---
"""Pipeline reference for scband-direct-linear-84335977824864 (READ-ONLY COPY).

The authoritative reference and input builder live on the scoring server;
editing this copy changes nothing except your own understanding.
"""

import jax, jax.numpy as jnp
import numpy as np

FIELDS = [100000] * 26
BATCH = 16384


def setup_inputs(seed: int = 0) -> dict:
    key = jax.random.key(seed)
    k1, k2 = jax.random.split(key)
    x = jax.random.randint(k1, (BATCH, len(FIELDS)), 0, 100000, dtype=jnp.int32)
    table = jax.random.normal(k2, (int(sum(FIELDS)), 1), dtype=jnp.float32)
    offsets = jnp.array([0] + list(np.cumsum(FIELDS)[:-1]), dtype=jnp.int32)
    return {"x": x, "table": table, "offsets": offsets}


def reference(x, table, offsets):
    # DirectLinear.forward: x_offsets = x + offsets; embedding(x_offsets).flatten(1)
    x_offsets = x + offsets[None, :]
    emb = jnp.take(table, x_offsets, axis=0)  # [B, F, 1]
    return emb.reshape(emb.shape[0], -1)  # [B, F]

if __name__ == "__main__":
    import jax
    _d = setup_inputs()
    print(jax.jit(kernel)(*tuple(_d.values())))

</pallas_src>

<mosaic_0001>
#map = affine_map<(d0, d1) -> (0)>
module attributes {stable_mosaic.version = 14 : i64} {
  func.func @sc_gather(%arg0: i32, %arg1: i32, %arg2: memref<425984xi32, #tpu.memory_space<hbm>>, %arg3: memref<208xi32, #tpu.memory_space<hbm>>, %arg4: memref<2600000xf32, #tpu.memory_space<hbm>>, %arg5: memref<425984xf32, #tpu.memory_space<hbm>>, %arg6: memref<13312xi32, #tpu.memory_space<vmem>>, %arg7: memref<13312xf32, #tpu.memory_space<vmem>>, %arg8: memref<208xi32, #tpu.memory_space<vmem>>, %arg9: memref<!tpu.dma_semaphore, #tpu.memory_space<semaphore_mem>>, %arg10: memref<!tpu.dma_semaphore, #tpu.memory_space<semaphore_mem>>) attributes {dimension_semantics = [#tpu.dimension_semantics<core_parallel>, #tpu.dimension_semantics<subcore_parallel>], iteration_bounds = array<i64: 2, 16>, scalar_prefetch = 0 : i64, scratch_operands = 5 : i64, tpu.core_type = #tpu.core_type<sc_vector_subcore>, window_params = [{transform_indices = #map}, {transform_indices = #map}, {transform_indices = #map}, {transform_indices = #map}]} {
    %mul3A = arith.constant 2 : i32
    %mul3A_0 = arith.muli %arg1, %mul3A : i32
    %add3A = arith.addi %mul3A_0, %arg0 : i32
    %mul3A_1 = arith.constant 13312 : i32
    %mul3A_2 = arith.muli %add3A, %mul3A_1 : i32
    "tpu.region"() ({
      %run_scoped3A = tpu.sem_alloc : memref<!tpu.dma_semaphore, #tpu.memory_space<semaphore_mem>>
      %dma_start3A_38 = tpu.memref_slice %arg2[%mul3A_2] : memref<425984xi32, #tpu.memory_space<hbm>> -> memref<13312xi32, #tpu.memory_space<hbm>>
      %dma_start3A_39 = tpu.memref_slice %arg2[%mul3A_2] : memref<425984xi32, #tpu.memory_space<hbm>> -> memref<13312xi32, #tpu.memory_space<hbm>>
      tpu.enqueue_dma source(%dma_start3A_39 : memref<13312xi32, #tpu.memory_space<hbm>>) target(%arg6 : memref<13312xi32, #tpu.memory_space<vmem>>) target_semaphore(%run_scoped3A : memref<!tpu.dma_semaphore, #tpu.memory_space<semaphore_mem>>)
      %dma_wait3A_40 = tpu.memref_slice %arg2[%mul3A_2] : memref<425984xi32, #tpu.memory_space<hbm>> -> memref<13312xi32, #tpu.memory_space<hbm>>
      %dma_wait3A_41 = tpu.memref_slice %arg2[%mul3A_2] : memref<425984xi32, #tpu.memory_space<hbm>> -> memref<13312xi32, #tpu.memory_space<hbm>>
      tpu.wait_dma2 semaphore(%run_scoped3A : memref<!tpu.dma_semaphore, #tpu.memory_space<semaphore_mem>>) src(%dma_wait3A_41 : memref<13312xi32, #tpu.memory_space<hbm>>) dst(%arg6 : memref<13312xi32, #tpu.memory_space<vmem>>)
      tpu.yield
    }) : () -> ()
    "tpu.region"() ({
      %run_scoped3A = tpu.sem_alloc : memref<!tpu.dma_semaphore, #tpu.memory_space<semaphore_mem>>
      tpu.enqueue_dma source(%arg3 : memref<208xi32, #tpu.memory_space<hbm>>) target(%arg8 : memref<208xi32, #tpu.memory_space<vmem>>) target_semaphore(%run_scoped3A : memref<!tpu.dma_semaphore, #tpu.memory_space<semaphore_mem>>)
      tpu.wait_dma2 semaphore(%run_scoped3A : memref<!tpu.dma_semaphore, #tpu.memory_space<semaphore_mem>>) src(%arg3 : memref<208xi32, #tpu.memory_space<hbm>>) dst(%arg8 : memref<208xi32, #tpu.memory_space<vmem>>)
      tpu.yield
    }) : () -> ()
    %scan3A = arith.constant 0 : i32
    %scan3A_3 = arith.constant 0 : i32
    %scan3A_4 = arith.constant 32 : i32
    %scan3A_5 = arith.addi %scan3A_3, %scan3A_4 : i32
    %scan3A_6 = arith.constant 1 : i32
    scf.for %scan3A_38 = %scan3A_3 to %scan3A_5 step %scan3A_6  : i32 {
      %mul3A_39 = arith.constant 208 : i32
      %mul3A_40 = arith.muli %scan3A_38, %mul3A_39 : i32
      %add3A_41 = arith.constant 0 : i32
      %add3A_42 = arith.addi %mul3A_40, %add3A_41 : i32
      %get3A = arith.index_cast %add3A_42 : i32 to index
      %get3A_43 = tpu.vector_load %arg6[%get3A] {strides = array<i32>} : memref<13312xi32, #tpu.memory_space<vmem>>, vector<16xi32>,
      %get3A_44 = vector.shape_cast %get3A_43 : vector<16xi32> to vector<16xi32>
      %get3A_45 = arith.constant 0 : index
      %get3A_46 = tpu.vector_load %arg8[%get3A_45] {strides = array<i32>} : memref<208xi32, #tpu.memory_space<vmem>>, vector<16xi32>,
      %get3A_47 = vector.shape_cast %get3A_46 : vector<16xi32> to vector<16xi32>
      %add3A_48 = arith.addi %get3A_44, %get3A_47 : vector<16xi32>
      %swap3A = arith.index_cast %add3A_42 : i32 to index
      %swap3A_49 = tpu.vector_load %arg6[%swap3A] {strides = array<i32>} : memref<13312xi32, #tpu.memory_space<vmem>>, vector<16xi32>,
      %swap3A_50 = vector.shape_cast %swap3A_49 : vector<16xi32> to vector<16xi32>
      %swap3A_51 = vector.shape_cast %add3A_48 : vector<16xi32> to vector<16xi32>
      tpu.vector_store %arg6[%swap3A], %swap3A_51 {strides = array<i32>} : memref<13312xi32, #tpu.memory_space<vmem>>, vector<16xi32>,
      %add3A_52 = arith.constant 16 : i32
      %add3A_53 = arith.addi %mul3A_40, %add3A_52 : i32
      %get3A_54 = arith.index_cast %add3A_53 : i32 to index
      %get3A_55 = tpu.vector_load %arg6[%get3A_54] {strides = array<i32>} : memref<13312xi32, #tpu.memory_space<vmem>>, vector<16xi32>,
      %get3A_56 = vector.shape_cast %get3A_55 : vector<16xi32> to vector<16xi32>
      %get3A_57 = arith.constant 16 : index
      %get3A_58 = tpu.vector_load %arg8[%get3A_57] {strides = array<i32>} : memref<208xi32, #tpu.memory_space<vmem>>, vector<16xi32>,
      %get3A_59 = vector.shape_cast %get3A_58 : vector<16xi32> to vector<16xi32>
      %add3A_60 = arith.addi %get3A_56, %get3A_59 : vector<16xi32>
      %swap3A_61 = arith.index_cast %add3A_53 : i32 to index
      %swap3A_62 = tpu.vector_load %arg6[%swap3A_61] {strides = array<i32>} : memref<13312xi32, #tpu.memory_space<vmem>>, vector<16xi32>,
      %swap3A_63 = vector.shape_cast %swap3A_62 : vector<16xi32> to vector<16xi32>
      %swap3A_64 = vector.shape_cast %add3A_60 : vector<16xi32> to vector<16xi32>
      tpu.vector_store %arg6[%swap3A_61], %swap3A_64 {strides = array<i32>} : memref<13312xi32, #tpu.memory_space<vmem>>, vector<16xi32>,
      %add3A_65 = arith.constant 32 : i32
      %add3A_66 = arith.addi %mul3A_40, %add3A_65 : i32
      %get3A_67 = arith.index_cast %add3A_66 : i32 to index
      %get3A_68 = tpu.vector_load %arg6[%get3A_67] {strides = array<i32>} : memref<13312xi32, #tpu.memory_space<vmem>>, vector<16xi32>,
      %get3A_69 = vector.shape_cast %get3A_68 : vector<16xi32> to vector<16xi32>
      %get3A_70 = arith.constant 32 : index
      %get3A_71 = tpu.vector_load %arg8[%get3A_70] {strides = array<i32>} : memref<208xi32, #tpu.memory_space<vmem>>, vector<16xi32>,
      %get3A_72 = vector.shape_cast %get3A_71 : vector<16xi32> to vector<16xi32>
      %add3A_73 = arith.addi %get3A_69, %get3A_72 : vector<16xi32>
      %swap3A_74 = arith.index_cast %add3A_66 : i32 to index
      %swap3A_75 = tpu.vector_load %arg6[%swap3A_74] {strides = array<i32>} : memref<13312xi32, #tpu.memory_space<vmem>>, vector<16xi32>,
      %swap3A_76 = vector.shape_cast %swap3A_75 : vector<16xi32> to vector<16xi32>
      %swap3A_77 = vector.shape_cast %add3A_73 : vector<16xi32> to vector<16xi32>
      tpu.vector_store %arg6[%swap3A_74], %swap3A_77 {strides = array<i32>} : memref<13312xi32, #tpu.memory_space<vmem>>, vector<16xi32>,
      %add3A_78 = arith.constant 48 : i32
      %add3A_79 = arith.addi %mul3A_40, %add3A_78 : i32
      %get3A_80 = arith.index_cast %add3A_79 : i32 to index
      %get3A_81 = tpu.vector_load %arg6[%get3A_80] {strides = array<i32>} : memref<13312xi32, #tpu.memory_space<vmem>>, vector<16xi32>,
      %get3A_82 = vector.shape_cast %get3A_81 : vector<16xi32> to vector<16xi32>
      %get3A_83 = arith.constant 48 : index
      %get3A_84 = tpu.vector_load %arg8[%get3A_83] {strides = array<i32>} : memref<208xi32, #tpu.memory_space<vmem>>, vector<16xi32>,
      %get3A_85 = vector.shape_cast %get3A_84 : vector<16xi32> to vector<16xi32>
      %add3A_86 = arith.addi %get3A_82, %get3A_85 : vector<16xi32>
      %swap3A_87 = arith.index_cast %add3A_79 : i32 to index
      %swap3A_88 = tpu.vector_load %arg6[%swap3A_87] {strides = array<i32>} : memref<13312xi32, #tpu.memory_space<vmem>>, vector<16xi32>,
      %swap3A_89 = vector.shape_cast %swap3A_88 : vector<16xi32> to vector<16xi32>
      %swap3A_90 = vector.shape_cast %add3A_86 : vector<16xi32> to vector<16xi32>
      tpu.vector_store %arg6[%swap3A_87], %swap3A_90 {strides = array<i32>} : memref<13312xi32, #tpu.memory_space<vmem>>, vector<16xi32>,
      %add3A_91 = arith.constant 64 : i32
      %add3A_92 = arith.addi %mul3A_40, %add3A_91 : i32
      %get3A_93 = arith.index_cast %add3A_92 : i32 to index
      %get3A_94 = tpu.vector_load %arg6[%get3A_93] {strides = array<i32>} : memref<13312xi32, #tpu.memory_space<vmem>>, vector<16xi32>,
      %get3A_95 = vector.shape_cast %get3A_94 : vector<16xi32> to vector<16xi32>
      %get3A_96 = arith.constant 64 : index
      %get3A_97 = tpu.vector_load %arg8[%get3A_96] {strides = array<i32>} : memref<208xi32, #tpu.memory_space<vmem>>, vector<16xi32>,
      %get3A_98 = vector.shape_cast %get3A_97 : vector<16xi32> to vector<16xi32>
      %add3A_99 = arith.addi %get3A_95, %get3A_98 : vector<16xi32>
      %swap3A_100 = arith.index_cast %add3A_92 : i32 to index
      %swap3A_101 = tpu.vector_load %arg6[%swap3A_100] {strides = array<i32>} : memref<13312xi32, #tpu.memory_space<vmem>>, vector<16xi32>,
      %swap3A_102 = vector.shape_cast %swap3A_101 : vector<16xi32> to vector<16xi32>
      %swap3A_103 = vector.shape_cast %add3A_99 : vector<16xi32> to vector<16xi32>
      tpu.vector_store %arg6[%swap3A_100], %swap3A_103 {strides = array<i32>} : memref<13312xi32, #tpu.memory_space<vmem>>, vector<16xi32>,
      %add3A_104 = arith.constant 80 : i32
      %add3A_105 = arith.addi %mul3A_40, %add3A_104 : i32
      %get3A_106 = arith.index_cast %add3A_105 : i32 to index
      %get3A_107 = tpu.vector_load %arg6[%get3A_106] {strides = array<i32>} : memref<13312xi32, #tpu.memory_space<vmem>>, vector<16xi32>,
      %get3A_108 = vector.shape_cast %get3A_107 : vector<16xi32> to vector<16xi32>
      %get3A_109 = arith.constant 80 : index
      %get3A_110 = tpu.vector_load %arg8[%get3A_109] {strides = array<i32>} : memref<208xi32, #tpu.memory_space<vmem>>, vector<16xi32>,
      %get3A_111 = vector.shape_cast %get3A_110 : vector<16xi32> to vector<16xi32>
      %add3A_112 = arith.addi %get3A_108, %get3A_111 : vector<16xi32>
      %swap3A_113 = arith.index_cast %add3A_105 : i32 to index
      %swap3A_114 = tpu.vector_load %arg6[%swap3A_113] {strides = array<i32>} : memref<13312xi32, #tpu.memory_space<vmem>>, vector<16xi32>,
      %swap3A_115 = vector.shape_cast %swap3A_114 : vector<16xi32> to vector<16xi32>
      %swap3A_116 = vector.shape_cast %add3A_112 : vector<16xi32> to vector<16xi32>
      tpu.vector_store %arg6[%swap3A_113], %swap3A_116 {strides = array<i32>} : memref<13312xi32, #tpu.memory_space<vmem>>, vector<16xi32>,
      %add3A_117 = arith.constant 96 : i32
      %add3A_118 = arith.addi %mul3A_40, %add3A_117 : i32
      %get3A_119 = arith.index_cast %add3A_118 : i32 to index
      %get3A_120 = tpu.vector_load %arg6[%get3A_119] {strides = array<i32>} : memref<13312xi32, #tpu.memory_space<vmem>>, vector<16xi32>,
      %get3A_121 = vector.shape_cast %get3A_120 : vector<16xi32> to vector<16xi32>
      %get3A_122 = arith.constant 96 : index
      %get3A_123 = tpu.vector_load %arg8[%get3A_122] {strides = array<i32>} : memref<208xi32, #tpu.memory_space<vmem>>, vector<16xi32>,
      %get3A_124 = vector.shape_cast %get3A_123 : vector<16xi32> to vector<16xi32>
      %add3A_125 = arith.addi %get3A_121, %get3A_124 : vector<16xi32>
      %swap3A_126 = arith.index_cast %add3A_118 : i32 to index
      %swap3A_127 = tpu.vector_load %arg6[%swap3A_126] {strides = array<i32>} : memref<13312xi32, #tpu.memory_space<vmem>>, vector<16xi32>,
      %swap3A_128 = vector.shape_cast %swap3A_127 : vector<16xi32> to vector<16xi32>
      %swap3A_129 = vector.shape_cast %add3A_125 : vector<16xi32> to vector<16xi32>
      tpu.vector_store %arg6[%swap3A_126], %swap3A_129 {strides = array<i32>} : memref<13312xi32, #tpu.memory_space<vmem>>, vector<16xi32>,
      %add3A_130 = arith.constant 112 : i32
      %add3A_131 = arith.addi %mul3A_40, %add3A_130 : i32
      %get3A_132 = arith.index_cast %add3A_131 : i32 to index
      %get3A_133 = tpu.vector_load %arg6[%get3A_132] {strides = array<i32>} : memref<13312xi32, #tpu.memory_space<vmem>>, vector<16xi32>,
      %get3A_134 = vector.shape_cast %get3A_133 : vector<16xi32> to vector<16xi32>
      %get3A_135 = arith.constant 112 : index
      %get3A_136 = tpu.vector_load %arg8[%get3A_135] {strides = array<i32>} : memref<208xi32, #tpu.memory_space<vmem>>, vector<16xi32>,
      %get3A_137 = vector.shape_cast %get3A_136 : vector<16xi32> to vector<16xi32>
      %add3A_138 = arith.addi %get3A_134, %get3A_137 : vector<16xi32>
      %swap3A_139 = arith.index_cast %add3A_131 : i32 to index
      %swap3A_140 = tpu.vector_load %arg6[%swap3A_139] {strides = array<i32>} : memref<13312xi32, #tpu.memory_space<vmem>>, vector<16xi32>,
      %swap3A_141 = vector.shape_cast %swap3A_140 : vector<16xi32> to vector<16xi32>
      %swap3A_142 = vector.shape_cast %add3A_138 : vector<16xi32> to vector<16xi32>
      tpu.vector_store %arg6[%swap3A_139], %swap3A_142 {strides = array<i32>} : memref<13312xi32, #tpu.memory_space<vmem>>, vector<16xi32>,
      %add3A_143 = arith.constant 128 : i32
      %add3A_144 = arith.addi %mul3A_40, %add3A_143 : i32
      %get3A_145 = arith.index_cast %add3A_144 : i32 to index
      %get3A_146 = tpu.vector_load %arg6[%get3A_145] {strides = array<i32>} : memref<13312xi32, #tpu.memory_space<vmem>>, vector<16xi32>,
      %get3A_147 = vector.shape_cast %get3A_146 : vector<16xi32> to vector<16xi32>
      %get3A_148 = arith.constant 128 : index
      %get3A_149 = tpu.vector_load %arg8[%get3A_148] {strides = array<i32>} : memref<208xi32, #tpu.memory_space<vmem>>, vector<16xi32>,
      %get3A_150 = vector.shape_cast %get3A_149 : vector<16xi32> to vector<16xi32>
      %add3A_151 = arith.addi %get3A_147, %get3A_150 : vector<16xi32>
      %swap3A_152 = arith.index_cast %add3A_144 : i32 to index
      %swap3A_153 = tpu.vector_load %arg6[%swap3A_152] {strides = array<i32>} : memref<13312xi32, #tpu.memory_space<vmem>>, vector<16xi32>,
      %swap3A_154 = vector.shape_cast %swap3A_153 : vector<16xi32> to vector<16xi32>
      %swap3A_155 = vector.shape_cast %add3A_151 : vector<16xi32> to vector<16xi32>
      tpu.vector_store %arg6[%swap3A_152], %swap3A_155 {strides = array<i32>} : memref<13312xi32, #tpu.memory_space<vmem>>, vector<16xi32>,
      %add3A_156 = arith.constant 144 : i32
      %add3A_157 = arith.addi %mul3A_40, %add3A_156 : i32
      %get3A_158 = arith.index_cast %add3A_157 : i32 to index
      %get3A_159 = tpu.vector_load %arg6[%get3A_158] {strides = array<i32>} : memref<13312xi32, #tpu.memory_space<vmem>>, vector<16xi32>,
      %get3A_160 = vector.shape_cast %get3A_159 : vector<16xi32> to vector<16xi32>
      %get3A_161 = arith.constant 144 : index
      %get3A_162 = tpu.vector_load %arg8[%get3A_161] {strides = array<i32>} : memref<208xi32, #tpu.memory_space<vmem>>, vector<16xi32>,
      %get3A_163 = vector.shape_cast %get3A_162 : vector<16xi32> to vector<16xi32>
      %add3A_164 = arith.addi %get3A_160, %get3A_163 : vector<16xi32>
      %swap3A_165 = arith.index_cast %add3A_157 : i32 to index
      %swap3A_166 = tpu.vector_load %arg6[%swap3A_165] {strides = array<i32>} : memref<13312xi32, #tpu.memory_space<vmem>>, vector<16xi32>,
      %swap3A_167 = vector.shape_cast %swap3A_166 : vector<16xi32> to vector<16xi32>
      %swap3A_168 = vector.shape_cast %add3A_164 : vector<16xi32> to vector<16xi32>
      tpu.vector_store %arg6[%swap3A_165], %swap3A_168 {strides = array<i32>} : memref<13312xi32, #tpu.memory_space<vmem>>, vector<16xi32>,
      %add3A_169 = arith.constant 160 : i32
      %add3A_170 = arith.addi %mul3A_40, %add3A_169 : i32
      %get3A_171 = arith.index_cast %add3A_170 : i32 to index
      %get3A_172 = tpu.vector_load %arg6[%get3A_171] {strides = array<i32>} : memref<13312xi32, #tpu.memory_space<vmem>>, vector<16xi32>,
      %get3A_173 = vector.shape_cast %get3A_172 : vector<16xi32> to vector<16xi32>
      %get3A_174 = arith.constant 160 : index
      %get3A_175 = tpu.vector_load %arg8[%get3A_174] {strides = array<i32>} : memref<208xi32, #tpu.memory_space<vmem>>, vector<16xi32>,
      %get3A_176 = vector.shape_cast %get3A_175 : vector<16xi32> to vector<16xi32>
      %add3A_177 = arith.addi %get3A_173, %get3A_176 : vector<16xi32>
      %swap3A_178 = arith.index_cast %add3A_170 : i32 to index
      %swap3A_179 = tpu.vector_load %arg6[%swap3A_178] {strides = array<i32>} : memref<13312xi32, #tpu.memory_space<vmem>>, vector<16xi32>,
      %swap3A_180 = vector.shape_cast %swap3A_179 : vector<16xi32> to vector<16xi32>
      %swap3A_181 = vector.shape_cast %add3A_177 : vector<16xi32> to vector<16xi32>
      tpu.vector_store %arg6[%swap3A_178], %swap3A_181 {strides = array<i32>} : memref<13312xi32, #tpu.memory_space<vmem>>, vector<16xi32>,
      %add3A_182 = arith.constant 176 : i32
      %add3A_183 = arith.addi %mul3A_40, %add3A_182 : i32
      %get3A_184 = arith.index_cast %add3A_183 : i32 to index
      %get3A_185 = tpu.vector_load %arg6[%get3A_184] {strides = array<i32>} : memref<13312xi32, #tpu.memory_space<vmem>>, vector<16xi32>,
      %get3A_186 = vector.shape_cast %get3A_185 : vector<16xi32> to vector<16xi32>
      %get3A_187 = arith.constant 176 : index
      %get3A_188 = tpu.vector_load %arg8[%get3A_187] {strides = array<i32>} : memref<208xi32, #tpu.memory_space<vmem>>, vector<16xi32>,
      %get3A_189 = vector.shape_cast %get3A_188 : vector<16xi32> to vector<16xi32>
      %add3A_190 = arith.addi %get3A_186, %get3A_189 : vector<16xi32>
      %swap3A_191 = arith.index_cast %add3A_183 : i32 to index
      %swap3A_192 = tpu.vector_load %arg6[%swap3A_191] {strides = array<i32>} : memref<13312xi32, #tpu.memory_space<vmem>>, vector<16xi32>,
      %swap3A_193 = vector.shape_cast %swap3A_192 : vector<16xi32> to vector<16xi32>
      %swap3A_194 = vector.shape_cast %add3A_190 : vector<16xi32> to vector<16xi32>
      tpu.vector_store %arg6[%swap3A_191], %swap3A_194 {strides = array<i32>} : memref<13312xi32, #tpu.memory_space<vmem>>, vector<16xi32>,
      %add3A_195 = arith.constant 192 : i32
      %add3A_196 = arith.addi %mul3A_40, %add3A_195 : i32
      %get3A_197 = arith.index_cast %add3A_196 : i32 to index
      %get3A_198 = tpu.vector_load %arg6[%get3A_197] {strides = array<i32>} : memref<13312xi32, #tpu.memory_space<vmem>>, vector<16xi32>,
      %get3A_199 = vector.shape_cast %get3A_198 : vector<16xi32> to vector<16xi32>
      %get3A_200 = arith.constant 192 : index
      %get3A_201 = tpu.vector_load %arg8[%get3A_200] {strides = array<i32>} : memref<208xi32, #tpu.memory_space<vmem>>, vector<16xi32>,
      %get3A_202 = vector.shape_cast %get3A_201 : vector<16xi32> to vector<16xi32>
      %add3A_203 = arith.addi %get3A_199, %get3A_202 : vector<16xi32>
      %swap3A_204 = arith.index_cast %add3A_196 : i32 to index
      %swap3A_205 = tpu.vector_load %arg6[%swap3A_204] {strides = array<i32>} : memref<13312xi32, #tpu.memory_space<vmem>>, vector<16xi32>,
      %swap3A_206 = vector.shape_cast %swap3A_205 : vector<16xi32> to vector<16xi32>
      %swap3A_207 = vector.shape_cast %add3A_203 : vector<16xi32> to vector<16xi32>
      tpu.vector_store %arg6[%swap3A_204], %swap3A_207 {strides = array<i32>} : memref<13312xi32, #tpu.memory_space<vmem>>, vector<16xi32>,
    }
    %scan3A_7 = arith.constant 32 : i32
    %dma_start3A = arith.constant 0 : i32
    %dma_start3A_8 = tpu.memref_slice %arg7[%dma_start3A] : memref<13312xf32, #tpu.memory_space<vmem>> -> memref<6656xf32, #tpu.memory_space<vmem>>
    %dma_start3A_9 = arith.constant 0 : i32
    %dma_start3A_10 = tpu.memref_slice %arg6[%dma_start3A_9] : memref<13312xi32, #tpu.memory_space<vmem>> -> memref<6656xi32, #tpu.memory_space<vmem>>
    %dma_start3A_11 = arith.constant 0 : i32
    %dma_start3A_12 = tpu.memref_slice %arg4[%dma_start3A_11] : memref<2600000xf32, #tpu.memory_space<hbm>> -> memref<2600000xf32, #tpu.memory_space<hbm>>
    tpu.enqueue_indirect_dma source(%dma_start3A_12 : memref<2600000xf32, #tpu.memory_space<hbm>>) target(%dma_start3A_8 : memref<6656xf32, #tpu.memory_space<vmem>>) offsets(%dma_start3A_10 : memref<6656xi32, #tpu.memory_space<vmem>>) semaphore(%arg9 : memref<!tpu.dma_semaphore, #tpu.memory_space<semaphore_mem>>)
    %scan3A_13 = arith.constant 0 : i32
    %scan3A_14 = arith.constant 32 : i32
    %scan3A_15 = arith.constant 32 : i32
    %scan3A_16 = arith.addi %scan3A_14, %scan3A_15 : i32
    %scan3A_17 = arith.constant 1 : i32
    scf.for %scan3A_38 = %scan3A_14 to %scan3A_16 step %scan3A_17  : i32 {
      %mul3A_39 = arith.constant 208 : i32
      %mul3A_40 = arith.muli %scan3A_38, %mul3A_39 : i32
      %add3A_41 = arith.constant 0 : i32
      %add3A_42 = arith.addi %mul3A_40, %add3A_41 : i32
      %get3A = arith.index_cast %add3A_42 : i32 to index
      %get3A_43 = tpu.vector_load %arg6[%get3A] {strides = array<i32>} : memref<13312xi32, #tpu.memory_space<vmem>>, vector<16xi32>,
      %get3A_44 = vector.shape_cast %get3A_43 : vector<16xi32> to vector<16xi32>
      %get3A_45 = arith.constant 0 : index
      %get3A_46 = tpu.vector_load %arg8[%get3A_45] {strides = array<i32>} : memref<208xi32, #tpu.memory_space<vmem>>, vector<16xi32>,
      %get3A_47 = vector.shape_cast %get3A_46 : vector<16xi32> to vector<16xi32>
      %add3A_48 = arith.addi %get3A_44, %get3A_47 : vector<16xi32>
      %swap3A = arith.index_cast %add3A_42 : i32 to index
      %swap3A_49 = tpu.vector_load %arg6[%swap3A] {strides = array<i32>} : memref<13312xi32, #tpu.memory_space<vmem>>, vector<16xi32>,
      %swap3A_50 = vector.shape_cast %swap3A_49 : vector<16xi32> to vector<16xi32>
      %swap3A_51 = vector.shape_cast %add3A_48 : vector<16xi32> to vector<16xi32>
      tpu.vector_store %arg6[%swap3A], %swap3A_51 {strides = array<i32>} : memref<13312xi32, #tpu.memory_space<vmem>>, vector<16xi32>,
      %add3A_52 = arith.constant 16 : i32
      %add3A_53 = arith.addi %mul3A_40, %add3A_52 : i32
      %get3A_54 = arith.index_cast %add3A_53 : i32 to index
      %get3A_55 = tpu.vector_load %arg6[%get3A_54] {strides = array<i32>} : memref<13312xi32, #tpu.memory_space<vmem>>, vector<16xi32>,
      %get3A_56 = vector.shape_cast %get3A_55 : vector<16xi32> to vector<16xi32>
      %get3A_57 = arith.constant 16 : index
      %get3A_58 = tpu.vector_load %arg8[%get3A_57] {strides = array<i32>} : memref<208xi32, #tpu.memory_space<vmem>>, vector<16xi32>,
      %get3A_59 = vector.shape_cast %get3A_58 : vector<16xi32> to vector<16xi32>
      %add3A_60 = arith.addi %get3A_56, %get3A_59 : vector<16xi32>
      %swap3A_61 = arith.index_cast %add3A_53 : i32 to index
      %swap3A_62 = tpu.vector_load %arg6[%swap3A_61] {strides = array<i32>} : memref<13312xi32, #tpu.memory_space<vmem>>, vector<16xi32>,
      %swap3A_63 = vector.shape_cast %swap3A_62 : vector<16xi32> to vector<16xi32>
      %swap3A_64 = vector.shape_cast %add3A_60 : vector<16xi32> to vector<16xi32>
      tpu.vector_store %arg6[%swap3A_61], %swap3A_64 {strides = array<i32>} : memref<13312xi32, #tpu.memory_space<vmem>>, vector<16xi32>,
      %add3A_65 = arith.constant 32 : i32
      %add3A_66 = arith.addi %mul3A_40, %add3A_65 : i32
      %get3A_67 = arith.index_cast %add3A_66 : i32 to index
      %get3A_68 = tpu.vector_load %arg6[%get3A_67] {strides = array<i32>} : memref<13312xi32, #tpu.memory_space<vmem>>, vector<16xi32>,
      %get3A_69 = vector.shape_cast %get3A_68 : vector<16xi32> to vector<16xi32>
      %get3A_70 = arith.constant 32 : index
      %get3A_71 = tpu.vector_load %arg8[%get3A_70] {strides = array<i32>} : memref<208xi32, #tpu.memory_space<vmem>>, vector<16xi32>,
      %get3A_72 = vector.shape_cast %get3A_71 : vector<16xi32> to vector<16xi32>
      %add3A_73 = arith.addi %get3A_69, %get3A_72 : vector<16xi32>
      %swap3A_74 = arith.index_cast %add3A_66 : i32 to index
      %swap3A_75 = tpu.vector_load %arg6[%swap3A_74] {strides = array<i32>} : memref<13312xi32, #tpu.memory_space<vmem>>, vector<16xi32>,
      %swap3A_76 = vector.shape_cast %swap3A_75 : vector<16xi32> to vector<16xi32>
      %swap3A_77 = vector.shape_cast %add3A_73 : vector<16xi32> to vector<16xi32>
      tpu.vector_store %arg6[%swap3A_74], %swap3A_77 {strides = array<i32>} : memref<13312xi32, #tpu.memory_space<vmem>>, vector<16xi32>,
      %add3A_78 = arith.constant 48 : i32
      %add3A_79 = arith.addi %mul3A_40, %add3A_78 : i32
      %get3A_80 = arith.index_cast %add3A_79 : i32 to index
      %get3A_81 = tpu.vector_load %arg6[%get3A_80] {strides = array<i32>} : memref<13312xi32, #tpu.memory_space<vmem>>, vector<16xi32>,
      %get3A_82 = vector.shape_cast %get3A_81 : vector<16xi32> to vector<16xi32>
      %get3A_83 = arith.constant 48 : index
      %get3A_84 = tpu.vector_load %arg8[%get3A_83] {strides = array<i32>} : memref<208xi32, #tpu.memory_space<vmem>>, vector<16xi32>,
      %get3A_85 = vector.shape_cast %get3A_84 : vector<16xi32> to vector<16xi32>
      %add3A_86 = arith.addi %get3A_82, %get3A_85 : vector<16xi32>
      %swap3A_87 = arith.index_cast %add3A_79 : i32 to index
      %swap3A_88 = tpu.vector_load %arg6[%swap3A_87] {strides = array<i32>} : memref<13312xi32, #tpu.memory_space<vmem>>, vector<16xi32>,
      %swap3A_89 = vector.shape_cast %swap3A_88 : vector<16xi32> to vector<16xi32>
      %swap3A_90 = vector.shape_cast %add3A_86 : vector<16xi32> to vector<16xi32>
      tpu.vector_store %arg6[%swap3A_87], %swap3A_90 {strides = array<i32>} : memref<13312xi32, #tpu.memory_space<vmem>>, vector<16xi32>,
      %add3A_91 = arith.constant 64 : i32
      %add3A_92 = arith.addi %mul3A_40, %add3A_91 : i32
      %get3A_93 = arith.index_cast %add3A_92 : i32 to index
      %get3A_94 = tpu.vector_load %arg6[%get3A_93] {strides = array<i32>} : memref<13312xi32, #tpu.memory_space<vmem>>, vector<16xi32>,
      %get3A_95 = vector.shape_cast %get3A_94 : vector<16xi32> to vector<16xi32>
      %get3A_96 = arith.constant 64 : index
      %get3A_97 = tpu.vector_load %arg8[%get3A_96] {strides = array<i32>} : memref<208xi32, #tpu.memory_space<vmem>>, vector<16xi32>,
      %get3A_98 = vector.shape_cast %get3A_97 : vector<16xi32> to vector<16xi32>
      %add3A_99 = arith.addi %get3A_95, %get3A_98 : vector<16xi32>
      %swap3A_100 = arith.index_cast %add3A_92 : i32 to index
      %swap3A_101 = tpu.vector_load %arg6[%swap3A_100] {strides = array<i32>} : memref<13312xi32, #tpu.memory_space<vmem>>, vector<16xi32>,
      %swap3A_102 = vector.shape_cast %swap3A_101 : vector<16xi32> to vector<16xi32>
      %swap3A_103 = vector.shape_cast %add3A_99 : vector<16xi32> to vector<16xi32>
      tpu.vector_store %arg6[%swap3A_100], %swap3A_103 {strides = array<i32>} : memref<13312xi32, #tpu.memory_space<vmem>>, vector<16xi32>,
      %add3A_104 = arith.constant 80 : i32
      %add3A_105 = arith.addi %mul3A_40, %add3A_104 : i32
      %get3A_106 = arith.index_cast %add3A_105 : i32 to index
      %get3A_107 = tpu.vector_load %arg6[%get3A_106] {strides = array<i32>} : memref<13312xi32, #tpu.memory_space<vmem>>, vector<16xi32>,
      %get3A_108 = vector.shape_cast %get3A_107 : vector<16xi32> to vector<16xi32>
      %get3A_109 = arith.constant 80 : index
      %get3A_110 = tpu.vector_load %arg8[%get3A_109] {strides = array<i32>} : memref<208xi32, #tpu.memory_space<vmem>>, vector<16xi32>,
      %get3A_111 = vector.shape_cast %get3A_110 : vector<16xi32> to vector<16xi32>
      %add3A_112 = arith.addi %get3A_108, %get3A_111 : vector<16xi32>
      %swap3A_113 = arith.index_cast %add3A_105 : i32 to index
      %swap3A_114 = tpu.vector_load %arg6[%swap3A_113] {strides = array<i32>} : memref<13312xi32, #tpu.memory_space<vmem>>, vector<16xi32>,
      %swap3A_115 = vector.shape_cast %swap3A_114 : vector<16xi32> to vector<16xi32>
      %swap3A_116 = vector.shape_cast %add3A_112 : vector<16xi32> to vector<16xi32>
      tpu.vector_store %arg6[%swap3A_113], %swap3A_116 {strides = array<i32>} : memref<13312xi32, #tpu.memory_space<vmem>>, vector<16xi32>,
      %add3A_117 = arith.constant 96 : i32
      %add3A_118 = arith.addi %mul3A_40, %add3A_117 : i32
      %get3A_119 = arith.index_cast %add3A_118 : i32 to index
      %get3A_120 = tpu.vector_load %arg6[%get3A_119] {strides = array<i32>} : memref<13312xi32, #tpu.memory_space<vmem>>, vector<16xi32>,
      %get3A_121 = vector.shape_cast %get3A_120 : vector<16xi32> to vector<16xi32>
      %get3A_122 = arith.constant 96 : index
      %get3A_123 = tpu.vector_load %arg8[%get3A_122] {strides = array<i32>} : memref<208xi32, #tpu.memory_space<vmem>>, vector<16xi32>,
      %get3A_124 = vector.shape_cast %get3A_123 : vector<16xi32> to vector<16xi32>
      %add3A_125 = arith.addi %get3A_121, %get3A_124 : vector<16xi32>
      %swap3A_126 = arith.index_cast %add3A_118 : i32 to index
      %swap3A_127 = tpu.vector_load %arg6[%swap3A_126] {strides = array<i32>} : memref<13312xi32, #tpu.memory_space<vmem>>, vector<16xi32>,
      %swap3A_128 = vector.shape_cast %swap3A_127 : vector<16xi32> to vector<16xi32>
      %swap3A_129 = vector.shape_cast %add3A_125 : vector<16xi32> to vector<16xi32>
      tpu.vector_store %arg6[%swap3A_126], %swap3A_129 {strides = array<i32>} : memref<13312xi32, #tpu.memory_space<vmem>>, vector<16xi32>,
      %add3A_130 = arith.constant 112 : i32
      %add3A_131 = arith.addi %mul3A_40, %add3A_130 : i32
      %get3A_132 = arith.index_cast %add3A_131 : i32 to index
      %get3A_133 = tpu.vector_load %arg6[%get3A_132] {strides = array<i32>} : memref<13312xi32, #tpu.memory_space<vmem>>, vector<16xi32>,
      %get3A_134 = vector.shape_cast %get3A_133 : vector<16xi32> to vector<16xi32>
      %get3A_135 = arith.constant 112 : index
      %get3A_136 = tpu.vector_load %arg8[%get3A_135] {strides = array<i32>} : memref<208xi32, #tpu.memory_space<vmem>>, vector<16xi32>,
      %get3A_137 = vector.shape_cast %get3A_136 : vector<16xi32> to vector<16xi32>
      %add3A_138 = arith.addi %get3A_134, %get3A_137 : vector<16xi32>
      %swap3A_139 = arith.index_cast %add3A_131 : i32 to index
      %swap3A_140 = tpu.vector_load %arg6[%swap3A_139] {strides = array<i32>} : memref<13312xi32, #tpu.memory_space<vmem>>, vector<16xi32>,
      %swap3A_141 = vector.shape_cast %swap3A_140 : vector<16xi32> to vector<16xi32>
      %swap3A_142 = vector.shape_cast %add3A_138 : vector<16xi32> to vector<16xi32>
      tpu.vector_store %arg6[%swap3A_139], %swap3A_142 {strides = array<i32>} : memref<13312xi32, #tpu.memory_space<vmem>>, vector<16xi32>,
      %add3A_143 = arith.constant 128 : i32
      %add3A_144 = arith.addi %mul3A_40, %add3A_143 : i32
      %get3A_145 = arith.index_cast %add3A_144 : i32 to index
      %get3A_146 = tpu.vector_load %arg6[%get3A_145] {strides = array<i32>} : memref<13312xi32, #tpu.memory_space<vmem>>, vector<16xi32>,
      %get3A_147 = vector.shape_cast %get3A_146 : vector<16xi32> to vector<16xi32>
      %get3A_148 = arith.constant 128 : index
      %get3A_149 = tpu.vector_load %arg8[%get3A_148] {strides = array<i32>} : memref<208xi32, #tpu.memory_space<vmem>>, vector<16xi32>,
      %get3A_150 = vector.shape_cast %get3A_149 : vector<16xi32> to vector<16xi32>
      %add3A_151 = arith.addi %get3A_147, %get3A_150 : vector<16xi32>
      %swap3A_152 = arith.index_cast %add3A_144 : i32 to index
      %swap3A_153 = tpu.vector_load %arg6[%swap3A_152] {strides = array<i32>} : memref<13312xi32, #tpu.memory_space<vmem>>, vector<16xi32>,
      %swap3A_154 = vector.shape_cast %swap3A_153 : vector<16xi32> to vector<16xi32>
      %swap3A_155 = vector.shape_cast %add3A_151 : vector<16xi32> to vector<16xi32>
      tpu.vector_store %arg6[%swap3A_152], %swap3A_155 {strides = array<i32>} : memref<13312xi32, #tpu.memory_space<vmem>>, vector<16xi32>,
      %add3A_156 = arith.constant 144 : i32
      %add3A_157 = arith.addi %mul3A_40, %add3A_156 : i32
      %get3A_158 = arith.index_cast %add3A_157 : i32 to index
      %get3A_159 = tpu.vector_load %arg6[%get3A_158] {strides = array<i32>} : memref<13312xi32, #tpu.memory_space<vmem>>, vector<16xi32>,
      %get3A_160 = vector.shape_cast %get3A_159 : vector<16xi32> to vector<16xi32>
      %get3A_161 = arith.constant 144 : index
      %get3A_162 = tpu.vector_load %arg8[%get3A_161] {strides = array<i32>} : memref<208xi32, #tpu.memory_space<vmem>>, vector<16xi32>,
      %get3A_163 = vector.shape_cast %get3A_162 : vector<16xi32> to vector<16xi32>
      %add3A_164 = arith.addi %get3A_160, %get3A_163 : vector<16xi32>
      %swap3A_165 = arith.index_cast %add3A_157 : i32 to index
      %swap3A_166 = tpu.vector_load %arg6[%swap3A_165] {strides = array<i32>} : memref<13312xi32, #tpu.memory_space<vmem>>, vector<16xi32>,
      %swap3A_167 = vector.shape_cast %swap3A_166 : vector<16xi32> to vector<16xi32>
      %swap3A_168 = vector.shape_cast %add3A_164 : vector<16xi32> to vector<16xi32>
      tpu.vector_store %arg6[%swap3A_165], %swap3A_168 {strides = array<i32>} : memref<13312xi32, #tpu.memory_space<vmem>>, vector<16xi32>,
      %add3A_169 = arith.constant 160 : i32
      %add3A_170 = arith.addi %mul3A_40, %add3A_169 : i32
      %get3A_171 = arith.index_cast %add3A_170 : i32 to index
      %get3A_172 = tpu.vector_load %arg6[%get3A_171] {strides = array<i32>} : memref<13312xi32, #tpu.memory_space<vmem>>, vector<16xi32>,
      %get3A_173 = vector.shape_cast %get3A_172 : vector<16xi32> to vector<16xi32>
      %get3A_174 = arith.constant 160 : index
      %get3A_175 = tpu.vector_load %arg8[%get3A_174] {strides = array<i32>} : memref<208xi32, #tpu.memory_space<vmem>>, vector<16xi32>,
      %get3A_176 = vector.shape_cast %get3A_175 : vector<16xi32> to vector<16xi32>
      %add3A_177 = arith.addi %get3A_173, %get3A_176 : vector<16xi32>
      %swap3A_178 = arith.index_cast %add3A_170 : i32 to index
      %swap3A_179 = tpu.vector_load %arg6[%swap3A_178] {strides = array<i32>} : memref<13312xi32, #tpu.memory_space<vmem>>, vector<16xi32>,
      %swap3A_180 = vector.shape_cast %swap3A_179 : vector<16xi32> to vector<16xi32>
      %swap3A_181 = vector.shape_cast %add3A_177 : vector<16xi32> to vector<16xi32>
      tpu.vector_store %arg6[%swap3A_178], %swap3A_181 {strides = array<i32>} : memref<13312xi32, #tpu.memory_space<vmem>>, vector<16xi32>,
      %add3A_182 = arith.constant 176 : i32
      %add3A_183 = arith.addi %mul3A_40, %add3A_182 : i32
      %get3A_184 = arith.index_cast %add3A_183 : i32 to index
      %get3A_185 = tpu.vector_load %arg6[%get3A_184] {strides = array<i32>} : memref<13312xi32, #tpu.memory_space<vmem>>, vector<16xi32>,
      %get3A_186 = vector.shape_cast %get3A_185 : vector<16xi32> to vector<16xi32>
      %get3A_187 = arith.constant 176 : index
      %get3A_188 = tpu.vector_load %arg8[%get3A_187] {strides = array<i32>} : memref<208xi32, #tpu.memory_space<vmem>>, vector<16xi32>,
      %get3A_189 = vector.shape_cast %get3A_188 : vector<16xi32> to vector<16xi32>
      %add3A_190 = arith.addi %get3A_186, %get3A_189 : vector<16xi32>
      %swap3A_191 = arith.index_cast %add3A_183 : i32 to index
      %swap3A_192 = tpu.vector_load %arg6[%swap3A_191] {strides = array<i32>} : memref<13312xi32, #tpu.memory_space<vmem>>, vector<16xi32>,
      %swap3A_193 = vector.shape_cast %swap3A_192 : vector<16xi32> to vector<16xi32>
      %swap3A_194 = vector.shape_cast %add3A_190 : vector<16xi32> to vector<16xi32>
      tpu.vector_store %arg6[%swap3A_191], %swap3A_194 {strides = array<i32>} : memref<13312xi32, #tpu.memory_space<vmem>>, vector<16xi32>,
      %add3A_195 = arith.constant 192 : i32
      %add3A_196 = arith.addi %mul3A_40, %add3A_195 : i32
      %get3A_197 = arith.index_cast %add3A_196 : i32 to index
      %get3A_198 = tpu.vector_load %arg6[%get3A_197] {strides = array<i32>} : memref<13312xi32, #tpu.memory_space<vmem>>, vector<16xi32>,
      %get3A_199 = vector.shape_cast %get3A_198 : vector<16xi32> to vector<16xi32>
      %get3A_200 = arith.constant 192 : index
      %get3A_201 = tpu.vector_load %arg8[%get3A_200] {strides = array<i32>} : memref<208xi32, #tpu.memory_space<vmem>>, vector<16xi32>,
      %get3A_202 = vector.shape_cast %get3A_201 : vector<16xi32> to vector<16xi32>
      %add3A_203 = arith.addi %get3A_199, %get3A_202 : vector<16xi32>
      %swap3A_204 = arith.index_cast %add3A_196 : i32 to index
      %swap3A_205 = tpu.vector_load %arg6[%swap3A_204] {strides = array<i32>} : memref<13312xi32, #tpu.memory_space<vmem>>, vector<16xi32>,
      %swap3A_206 = vector.shape_cast %swap3A_205 : vector<16xi32> to vector<16xi32>
      %swap3A_207 = vector.shape_cast %add3A_203 : vector<16xi32> to vector<16xi32>
      tpu.vector_store %arg6[%swap3A_204], %swap3A_207 {strides = array<i32>} : memref<13312xi32, #tpu.memory_space<vmem>>, vector<16xi32>,
    }
    %scan3A_18 = arith.constant 32 : i32
    %dma_start3A_19 = arith.constant 6656 : i32
    %dma_start3A_20 = tpu.memref_slice %arg7[%dma_start3A_19] : memref<13312xf32, #tpu.memory_space<vmem>> -> memref<6656xf32, #tpu.memory_space<vmem>>
    %dma_start3A_21 = arith.constant 6656 : i32
    %dma_start3A_22 = tpu.memref_slice %arg6[%dma_start3A_21] : memref<13312xi32, #tpu.memory_space<vmem>> -> memref<6656xi32, #tpu.memory_space<vmem>>
    %dma_start3A_23 = arith.constant 0 : i32
    %dma_start3A_24 = tpu.memref_slice %arg4[%dma_start3A_23] : memref<2600000xf32, #tpu.memory_space<hbm>> -> memref<2600000xf32, #tpu.memory_space<hbm>>
    tpu.enqueue_indirect_dma source(%dma_start3A_24 : memref<2600000xf32, #tpu.memory_space<hbm>>) target(%dma_start3A_20 : memref<6656xf32, #tpu.memory_space<vmem>>) offsets(%dma_start3A_22 : memref<6656xi32, #tpu.memory_space<vmem>>) semaphore(%arg10 : memref<!tpu.dma_semaphore, #tpu.memory_space<semaphore_mem>>)
    %dma_wait3A = arith.constant 0 : i32
    %dma_wait3A_25 = tpu.memref_slice %arg7[%dma_wait3A] : memref<13312xf32, #tpu.memory_space<vmem>> -> memref<6656xf32, #tpu.memory_space<vmem>>
    %dma_wait3A_26 = arith.constant 0 : i32
    %dma_wait3A_27 = tpu.memref_slice %arg6[%dma_wait3A_26] : memref<13312xi32, #tpu.memory_space<vmem>> -> memref<6656xi32, #tpu.memory_space<vmem>>
    %dma_wait3A_28 = arith.constant 0 : i32
    %dma_wait3A_29 = tpu.memref_slice %arg4[%dma_wait3A_28] : memref<2600000xf32, #tpu.memory_space<hbm>> -> memref<2600000xf32, #tpu.memory_space<hbm>>
    tpu.wait_indirect_dma semaphore(%arg9 : memref<!tpu.dma_semaphore, #tpu.memory_space<semaphore_mem>>) src(%dma_wait3A_29 : memref<2600000xf32, #tpu.memory_space<hbm>>) dst(%dma_wait3A_25 : memref<6656xf32, #tpu.memory_space<vmem>>)
    "tpu.region"() ({
      %run_scoped3A = tpu.sem_alloc : memref<!tpu.dma_semaphore, #tpu.memory_space<semaphore_mem>>
      %dma_start3A_38 = arith.constant 0 : i32
      %dma_start3A_39 = tpu.memref_slice %arg7[%dma_start3A_38] : memref<13312xf32, #tpu.memory_space<vmem>> -> memref<6656xf32, #tpu.memory_space<vmem>>
      %dma_start3A_40 = tpu.memref_slice %arg5[%mul3A_2] : memref<425984xf32, #tpu.memory_space<hbm>> -> memref<6656xf32, #tpu.memory_space<hbm>>
      %dma_start3A_41 = tpu.memref_slice %arg5[%mul3A_2] : memref<425984xf32, #tpu.memory_space<hbm>> -> memref<6656xf32, #tpu.memory_space<hbm>>
      %dma_start3A_42 = arith.constant 0 : i32
      %dma_start3A_43 = tpu.memref_slice %arg7[%dma_start3A_42] : memref<13312xf32, #tpu.memory_space<vmem>> -> memref<6656xf32, #tpu.memory_space<vmem>>
      tpu.enqueue_dma source(%dma_start3A_43 : memref<6656xf32, #tpu.memory_space<vmem>>) target(%dma_start3A_41 : memref<6656xf32, #tpu.memory_space<hbm>>) target_semaphore(%run_scoped3A : memref<!tpu.dma_semaphore, #tpu.memory_space<semaphore_mem>>)
      %dma_wait3A_44 = arith.constant 0 : i32
      %dma_wait3A_45 = tpu.memref_slice %arg7[%dma_wait3A_44] : memref<13312xf32, #tpu.memory_space<vmem>> -> memref<6656xf32, #tpu.memory_space<vmem>>
      %dma_wait3A_46 = tpu.memref_slice %arg5[%mul3A_2] : memref<425984xf32, #tpu.memory_space<hbm>> -> memref<6656xf32, #tpu.memory_space<hbm>>
      %dma_wait3A_47 = tpu.memref_slice %arg5[%mul3A_2] : memref<425984xf32, #tpu.memory_space<hbm>> -> memref<6656xf32, #tpu.memory_space<hbm>>
      %dma_wait3A_48 = arith.constant 0 : i32
      %dma_wait3A_49 = tpu.memref_slice %arg7[%dma_wait3A_48] : memref<13312xf32, #tpu.memory_space<vmem>> -> memref<6656xf32, #tpu.memory_space<vmem>>
      tpu.wait_dma2 semaphore(%run_scoped3A : memref<!tpu.dma_semaphore, #tpu.memory_space<semaphore_mem>>) src(%dma_wait3A_49 : memref<6656xf32, #tpu.memory_space<vmem>>) dst(%dma_wait3A_47 : memref<6656xf32, #tpu.memory_space<hbm>>)
      tpu.yield
    }) : () -> ()
    %dma_wait3A_30 = arith.constant 6656 : i32
    %dma_wait3A_31 = tpu.memref_slice %arg7[%dma_wait3A_30] : memref<13312xf32, #tpu.memory_space<vmem>> -> memref<6656xf32, #tpu.memory_space<vmem>>
    %dma_wait3A_32 = arith.constant 6656 : i32
    %dma_wait3A_33 = tpu.memref_slice %arg6[%dma_wait3A_32] : memref<13312xi32, #tpu.memory_space<vmem>> -> memref<6656xi32, #tpu.memory_space<vmem>>
    %dma_wait3A_34 = arith.constant 0 : i32
    %dma_wait3A_35 = tpu.memref_slice %arg4[%dma_wait3A_34] : memref<2600000xf32, #tpu.memory_space<hbm>> -> memref<2600000xf32, #tpu.memory_space<hbm>>
    tpu.wait_indirect_dma semaphore(%arg10 : memref<!tpu.dma_semaphore, #tpu.memory_space<semaphore_mem>>) src(%dma_wait3A_35 : memref<2600000xf32, #tpu.memory_space<hbm>>) dst(%dma_wait3A_31 : memref<6656xf32, #tpu.memory_space<vmem>>)
    %add3A_36 = arith.constant 6656 : i32
    %add3A_37 = arith.addi %mul3A_2, %add3A_36 : i32
    "tpu.region"() ({
      %run_scoped3A = tpu.sem_alloc : memref<!tpu.dma_semaphore, #tpu.memory_space<semaphore_mem>>
      %dma_start3A_38 = arith.constant 6656 : i32
      %dma_start3A_39 = tpu.memref_slice %arg7[%dma_start3A_38] : memref<13312xf32, #tpu.memory_space<vmem>> -> memref<6656xf32, #tpu.memory_space<vmem>>
      %dma_start3A_40 = tpu.memref_slice %arg5[%add3A_37] : memref<425984xf32, #tpu.memory_space<hbm>> -> memref<6656xf32, #tpu.memory_space<hbm>>
      %dma_start3A_41 = tpu.memref_slice %arg5[%add3A_37] : memref<425984xf32, #tpu.memory_space<hbm>> -> memref<6656xf32, #tpu.memory_space<hbm>>
      %dma_start3A_42 = arith.constant 6656 : i32
      %dma_start3A_43 = tpu.memref_slice %arg7[%dma_start3A_42] : memref<13312xf32, #tpu.memory_space<vmem>> -> memref<6656xf32, #tpu.memory_space<vmem>>
      tpu.enqueue_dma source(%dma_start3A_43 : memref<6656xf32, #tpu.memory_space<vmem>>) target(%dma_start3A_41 : memref<6656xf32, #tpu.memory_space<hbm>>) target_semaphore(%run_scoped3A : memref<!tpu.dma_semaphore, #tpu.memory_space<semaphore_mem>>)
      %dma_wait3A_44 = arith.constant 6656 : i32
      %dma_wait3A_45 = tpu.memref_slice %arg7[%dma_wait3A_44] : memref<13312xf32, #tpu.memory_space<vmem>> -> memref<6656xf32, #tpu.memory_space<vmem>>
      %dma_wait3A_46 = tpu.memref_slice %arg5[%add3A_37] : memref<425984xf32, #tpu.memory_space<hbm>> -> memref<6656xf32, #tpu.memory_space<hbm>>
      %dma_wait3A_47 = tpu.memref_slice %arg5[%add3A_37] : memref<425984xf32, #tpu.memory_space<hbm>> -> memref<6656xf32, #tpu.memory_space<hbm>>
      %dma_wait3A_48 = arith.constant 6656 : i32
      %dma_wait3A_49 = tpu.memref_slice %arg7[%dma_wait3A_48] : memref<13312xf32, #tpu.memory_space<vmem>> -> memref<6656xf32, #tpu.memory_space<vmem>>
      tpu.wait_dma2 semaphore(%run_scoped3A : memref<!tpu.dma_semaphore, #tpu.memory_space<semaphore_mem>>) src(%dma_wait3A_49 : memref<6656xf32, #tpu.memory_space<vmem>>) dst(%dma_wait3A_47 : memref<6656xf32, #tpu.memory_space<hbm>>)
      tpu.yield
    }) : () -> ()
    return
  }
}

</mosaic_0001>

<sc_bundles>
// kernel: kernel.3.cloned.1.call-start
scs
__scs_entry_jumppad:
0x0: {  	(pc) =	sbr.rel $0x88, $3  }
0x1: {  	(tag) =	ssettag $0x0;
	lr =	simm.s32 $0x1  }
0x2: {  	[smem:$0x3F9E] =	sst lr;
	_ =	strace $0xD0000000  }
0x3: {  	_ = 	snop  }
0x4: {  	_ = 	snop  }
0x5: {  	_ = 	snop  }
0x6: {  	_ = 	snop  }
0x7: {  	_ = 	snop  }
__scs_overlays_trampoline_lowered:
0x8: {  	[smem:$0x3FAD] =	sst s0  }
0x9: {  	[smem:$0x3FAE] =	sst s1  }
0xa: {  	[smem:$0x3FAF] =	sst s2  }
0xb: {  	[smem:$0x3FB0] =	sst s3  }
0xc: {  	[smem:$0x3FB1] =	sst s4  }
0xd: {  	[smem:$0x3FB2] =	sst s5  }
0xe: {  	[smem:$0x3FB3] =	sst s6  }
0xf: {  	[smem:$0x3FB4] =	sst s7  }
0x10: {  	[smem:$0x3FB5] =	sst s8  }
0x11: {  	[smem:$0x3FB6] =	sst s9;
	s0 =	simm.s32 @!p0 $0x0  }
0x12: {  	s1 =	sld [smem:$0x3F9C];
	s0 =	simm.s32 @p0 $0x1  }
0x13: {  	[smem:$0x3FB7] =	sst s0;
	s0 =	simm.s32 @!p1 $0x0  }
0x14: {  	s2 =	sld [smem:$0x3F9B];
	s0 =	simm.s32 @p1 $0x1  }
0x15: {  	[smem:$0x3FB8] =	sst s0;
	s0 =	simm.s32 @!p2 $0x0  }
0x16: {  	s3 =	sld [smem:$0x3FDB];
	s0 =	simm.s32 @p2 $0x1  }
0x17: {  	s4 =	simm.s32 $0x1BF5;
	[smem:$0x3FBA] =	sst s0  }
0x18: {  	s0 =	sld [smem:$0x3F9D];
	_ =	swait.ge [sflag:s4], $0x0  }
0x19: {  	s7 =	sld [smem:$0x3F9E]  }
0x1a: {  	s8 =	sadd.s32 $0xFFFFE003, lr  }
0x1b: {  	s9 =	sadd.s32 $0xFFFFFEF7, lr;
	s5 =	simm.s32 $0xFFFFFFFF;
	p2 =	slt.u32 s8, $0xFFFFF086  }
0x1c: {  	p1 =	slt.u32 s9, $0xF7A;
	s5 =	simm.s32 @!p2 $0x0  }
0x1d: {  	s5 =	simm.s32 @p1 $0x1;
	p0 =	seq.s32 s7, s2  }
0x1e: {  	s7 =	smul.u32 @!p0 $0xF7A, s2;
	p2 =	seq.s32 @!p0 s5, $0x0  }
0x1f: {  	s9 =	smul.u32 $0xF7A, s1;
	s8 =	simm.s32 @!p0 $0x1BF5;
	p2 =	por !p2, p0  }
0x20: {  	[sflag:s8] =	ssyncset.s32 @!p0 $0xFFFFF086;
	s6 =	sadd.s32 @!p0 s3, s7;
	s7 =	simm.s32 @!p0 $0x108  }
0x21: {  	s3 =	sadd.s32 s3, s9;
	s6 =	sadd.s32 @!p0 $0x88, s6;
	s7 =	simm.s32 @p2 $0x1082  }
0x22: {  	[simem:s7], [sflag:s8] =	dma.local @!p0 [hbm:s6], $0xF7A  }
0x23: {  	s9 =	sor.u32 $0xD0000000, s2;
	s6 =	simm.s32 $0x108;
	_ =	swait.ge @!p0 [sflag:s8], $0x0  }
0x24: {  	s3 =	sadd.s32 $0x88, s3;
	s6 =	simm.s32 @!p1 $0x1082;
	[sflag:s4] =	ssyncset.s32 $0xFFFFF086  }
0x25: {  	[simem:s6], [sflag:s4] =	dma.local [hbm:s3], $0xF7A  }
0x26: {  	[smem:$0x3F9E] =	sst s1;
	(tag) =	ssettag s2;
	_ =	strace s9  }
0x27: {  	s1 =	sld [smem:$0x3FAE]  }
0x28: {  	s2 =	sld [smem:$0x3FAF]  }
0x29: {  	s4 =	sld [smem:$0x3FB1]  }
0x2a: {  	p0 =	seq.s32 s5, $0x0;
	s5 =	sld [smem:$0x3FB2]  }
0x2b: {  	s6 =	sld [smem:$0x3FB3]  }
0x2c: {  	s7 =	sld [smem:$0x3FB4]  }
0x2d: {  	s3 =	simm.s32 $0x108;
	s8 =	sld [smem:$0x3FB5]  }
0x2e: {  	s3 =	simm.s32 @!p0 $0x1082;
	s9 =	sld [smem:$0x3FB6]  }
0x2f: {  	lr =	sadd.s32 s0, s3;
	s0 =	sld [smem:$0x3FAD]  }
0x30: {  	s3 =	sld [smem:$0x3FB0]  }
0x31: {  	[smem:$0x3FB9] =	sst s10  }
0x32: {  	s10 =	sld [smem:$0x3FB7];
	_ =	sdelay $0x3  }
0x33: {  	p0 =	seq.s32 s10, $0x1;
	s10 =	sld [smem:$0x3FB9];
	_ =	sdelay $0x3  }
0x34: {  	[smem:$0x3FB9] =	sst s10  }
0x35: {  	s10 =	sld [smem:$0x3FB8];
	_ =	sdelay $0x3  }
0x36: {  	p1 =	seq.s32 s10, $0x1;
	s10 =	sld [smem:$0x3FB9];
	_ =	sdelay $0x3  }
0x37: {  	[smem:$0x3FB9] =	sst s10  }
0x38: {  	s10 =	sld [smem:$0x3FBA]  }
0x39: {  	_ = 	snop;
	(pc) =	sbr.ind lr, $3  }
0x3a: {  	_ = 	snop  }
0x3b: {  	_ = 	snop  }
0x3c: {  	p2 =	seq.s32 s10, $0x1;
	s10 =	sld [smem:$0x3FB9]  }
0x3d: {  	_ =	shalt  }
0x3e: {  	_ =	shalt  }
0x3f: {  	_ =	shalt  }
0x40: {  	_ =	shalt  }
0x41: {  	_ =	shalt  }
0x42: {  	_ =	shalt  }
0x43: {  	_ =	shalt  }
0x44: {  	_ =	shalt  }
0x45: {  	_ =	shalt  }
0x46: {  	_ =	shalt  }
0x47: {  	_ =	shalt  }
0x48: {  	_ =	shalt  }
0x49: {  	_ =	shalt  }
0x4a: {  	_ =	shalt  }
0x4b: {  	_ =	shalt  }
0x4c: {  	_ =	shalt  }
0x4d: {  	_ =	shalt  }
0x4e: {  	_ =	shalt  }
0x4f: {  	_ =	shalt  }
0x50: {  	_ =	shalt  }
0x51: {  	_ =	shalt  }
0x52: {  	_ =	shalt  }
0x53: {  	_ =	shalt  }
0x54: {  	_ =	shalt  }
0x55: {  	_ =	shalt  }
0x56: {  	_ =	shalt  }
0x57: {  	_ =	shalt  }
0x58: {  	_ =	shalt  }
0x59: {  	_ =	shalt  }
0x5a: {  	_ =	shalt  }
0x5b: {  	_ =	shalt  }
0x5c: {  	_ =	shalt  }
0x5d: {  	_ =	shalt  }
0x5e: {  	_ =	shalt  }
0x5f: {  	_ =	shalt  }
0x60: {  	_ =	shalt  }
0x61: {  	_ =	shalt  }
0x62: {  	_ =	shalt  }
0x63: {  	_ =	shalt  }
0x64: {  	_ =	shalt  }
0x65: {  	_ =	shalt  }
0x66: {  	_ =	shalt  }
0x67: {  	_ =	shalt  }
0x68: {  	_ =	shalt  }
0x69: {  	_ =	shalt  }
0x6a: {  	_ =	shalt  }
0x6b: {  	_ =	shalt  }
0x6c: {  	_ =	shalt  }
0x6d: {  	_ =	shalt  }
0x6e: {  	_ =	shalt  }
0x6f: {  	_ =	shalt  }
0x70: {  	_ =	shalt  }
0x71: {  	_ =	shalt  }
0x72: {  	_ =	shalt  }
0x73: {  	_ =	shalt  }
0x74: {  	_ =	shalt  }
0x75: {  	_ =	shalt  }
0x76: {  	_ =	shalt  }
0x77: {  	_ =	shalt  }
0x78: {  	_ =	shalt  }
0x79: {  	_ =	shalt  }
0x7a: {  	_ =	shalt  }
0x7b: {  	_ =	shalt  }
0x7c: {  	_ =	shalt  }
0x7d: {  	_ =	shalt  }
0x7e: {  	_ =	shalt  }
0x7f: {  	_ =	shalt  }
0x80: {  	_ =	shalt  }
0x81: {  	_ =	shalt  }
0x82: {  	_ =	shalt  }
0x83: {  	_ =	shalt  }
0x84: {  	_ =	shalt  }
0x85: {  	_ =	shalt  }
0x86: {  	_ =	shalt  }
0x87: {  	_ =	shalt  }
.Lfunc_end0:
.L_simem_size_0:
called_computation_lowered:
.L_overlay_start_0:
0x88: {  	s2 =	sld [smem:$0x3FD9]  }
0x89: {  	s3 =	sld [smem:$0x3FFE];
	_ =	sdelay $0x1  }
0x8a: {  	s1 =	srdreg.scid  }
0x8b: {  	s0 =	sand.u32 $0x1, s1  }
0x8c: {  	s17 =	sshll.u32 s0, $0xA;
	s2 =	sadd.s32 s3, s2  }
0x8d: {  	s2 =	sadd.s32 s2, s17  }
0x8e: {  	[smem:$0x3FC5] =	sst s2  }
0x8f: {  	_ = 	snop  }
0x90: {  	s2 =	sld [smem:$0x3FD0];
	(tm) =	ssettm $0x1  }
0x91: {  	s18 =	sld [smem:$0x3FFB];
	_ =	sdelay $0x3  }
0x92: {  	_ =	strace s18  }
0x93: {  	s3 =	sld [smem:$0x3FFC];
	_ =	sdelay $0x3  }
0x94: {  	_ =	strace s3  }
0x95: {  	s3 =	sld [smem:$0x3FFD];
	_ =	sdelay $0x3  }
0x96: {  	_ =	strace s3  }
0x97: {  	_ =	strace $0x8FFFFFFF  }
0x98: {  	s19 =	sld [smem:$0x3FDB];
	_ =	sdelay $0x1  }
0x99: {  	s4 =	simm.s32 $_scs_section_size  }
0x9a: {  	s5 =	simm.s32 $_size__tile_overlayer_lowered;
	s6 =	simm.s32 $_tile_overlayer_lowered  }
0x9b: {  	s22 =	simm.s32 $0x1BFF;
	s21 =	sshll.u32 s6, $0x1;
	s3 =	sadd.s32 s4, s19  }
0x9c: {  	s7 =	simm.s32 $0x0;
	s20 =	sshll.u32 s5, $0x1;
	s5 =	sadd.s32 s21, s3  }
0x9d: {  	[timem:s7], [sflag:s22] =	dma.local [hbm:s5], s20  }
0x9e: {  	_ =	swait.ge [sflag:s22], s20  }
0x9f: {  	s4 =	ssub.s32 $0x0, s20;
	[sflag:s22] =	ssyncset.done $0x0  }
0xa0: {  	[sflag:s22] =	ssyncadd.s32 s4;
	_ =	sdelay $0x1  }
0xa1: {  	s23 =	simm.s32 $0x1B8B  }
0xa2: {  	_ =	swait.ge [sflag:s23], $0x1  }
0xa3: {  	[sflag:s23] =	ssyncset.done $0x0  }
0xa4: {  	s25 =	simm.s32 $0x1B8E;
	s24 =	sld [smem:$0x3FFE];
	[sflag:s23] =	ssyncadd.s32 $0xFFFFFFFF  }
0xa5: {  	s26 =	simm.s32 $execute0_lowered;
	[smem:$0x3FD2] =	sst s25  }
0xa6: {  	s5 =	sshll.u32 s26, $0x1;
	_ =	strace $0x80000046;
	[dreg:$0x1] =	wrdreg $0xFFFFFFFF  }
0xa7: {  	s28 =	simm.s32 $_size_execute0_lowered;
	s3 =	sadd.s32 s3, s5;
	[dreg:$0x0] =	wrdreg $0x0  }
0xa8: {  	s5 =	sshll.u32 s28, $0x1;
	[dreg:$0x2] =	wrdreg s3  }
0xa9: {  	[dreg:$0x3] =	wrdreg s5  }
0xaa: {  	[dreg:$0x4] =	wrdreg $0xC0  }
0xab: {  	_ =	task [dreg:s7], $0x5FFFF  }
0xac: {  	[dreg:$0x1] =	wrdreg $0xFFFFFFFF  }
0xad: {  	[dreg:$0x0] =	wrdreg $0x60  }
0xae: {  	[dreg:$0x2] =	wrdreg s2  }
0xaf: {  	[dreg:$0x3] =	wrdreg s24  }
0xb0: {  	[dreg:$0x4] =	wrdreg $0x9  }
0xb1: {  	_ =	task.clear_ibuf [dreg:s7], $0x5FFFF;
	_ =	strace $0x90000046  }
0xb2: {  	s29 =	simm.s32 $0x9;
	_ =	strace $0x80000048  }
0xb3: {  	_ =	swait.ge [sflag:s29], $0x1  }
0xb4: {  	[sflag:s29] =	ssyncadd.s32 $0xFFFFFFFF  }
0xb5: {  	_ =	strace $0x90000048  }
0xb6: {  	_ =	sfence  }
0xb7: {  	s30 =	sld [smem:$0x0];
	_ =	sdelay $0x2  }
0xb8: {  	s31 =	sshll.u32 s1, $0xD;
	s1 =	sshrl.u32 s1, $0x2  }
0xb9: {  	s3 =	sand.u32 $0x4000, s31;
	s1 =	sadd.s32 s1, s30  }
0xba: {  	s0 =	sor.u32 s3, s0;
	s1 =	sshll.u32 s1, $0x11  }
0xbb: {  	s0 =	sor.u32 s1, s0  }
0xbc: {  	s0 =	sadd.s32 $0x8F2B, s0  }
0xbd: {  	[sflag:s0] =	ssyncadd.remote.s32 $0x1  }
0xbe: {  	_ =	sfence.sel $0xFFFF  }
0xbf: {  	[dreg:$0x0] =	wrdreg $0xFFFFFFFF;
	(pc) =	sbr.abs _section_cstart, $3  }
0xc0: {  	[dreg:$0x1] =	wrdreg $0xFFFFFFFF  }
0xc1: {  	_ =	task.clear_ibuf [dreg:s7], $0x2FFFF;
	_ =	strace $0x9FFFFFFF  }
0xc2: {  	(tm) =	ssettm $0x7FFFFFFF  }
0xc3: {  	_ =	shalt  }
tec
execute0_lowered:
.L_overlay_start_1:
0x0: {  	(tag) =	ssettag $0x1  }
0x1: {  	s5 =	rddreg [dreg:$0x0];
	s1 =	srdreg.scid  }
0x2: {  	s0 =	stileid.u32;
	s6 =	rddreg [dreg:$0x1]  }
0x3: {  	s2 =	simm.s32 $0x0;
	s11 =	simm.s32 $0x3400;
	s12 =	simm.s32 $0x1A00  }
0x4: {  	s13 =	simm.s32 $0x4E00;
	s3 =	sand.u32 $0x1, s1;
	s4 =	sshll.u32 s0, $0x1  }
0x5: {  	s14 =	simm.s32 $0x1;
	s15 =	simm.s32 $0x2;
	s4 =	sor.u32 s3, s4  }
0x6: {  	s16 =	simm.s32 $0x0;
	[smem:$0x7FF] =	sst s2;
	s4 =	smul.u32 $0x3400, s4  }
0x7: {  	s1 =	rddreg [dreg:$0x2];
	_ =	strace $0x80000047;
	s7 =	ssub.s32 $0x2, s3  }
0x8: {  	s3 =	sadd.s32 $0xC00, s6;
	s9 =	sshrl.u32 s7, $0x1;
	s8 =	sshrl.u32 s4, $0x3  }
0x9: {  	s9 =	ssub.s32 s7, s9;
	s4 =	sadd.s32 $0xE00, s6;
	s10 =	sadd.s32 s8, s6  }
0xa: {  	s5 =	sadd.s32 s5, s8;
	s8 =	smax.u32 s9, $0x1;
	s9 =	simm.s32 $0x3  }
0xb: {  	s6 =	sadd.s32 $0x50400, s10;
	s7 =	sadd.s32 $0x50740, s10;
	s10 =	simm.s32 $0x6800  }
.LBB2_1:
0xc: {  	[tilespmem:s2], [sflag:$0x3] =	stream.linear.gather [hbm4b:s5+s2], $0x3400, $0x38;
	[tilespmem:$0x6900] =	vst v63  }
0xd: {  	_ =	swait.ge [sflag:s9], $0x3400  }
0xe: {  	[sflag:s9] =	ssyncset.done $0x0  }
0xf: {  	[sflag:s9] =	ssyncadd.s32 $0xFFFFCC00  }
0x10: {  	[tilespmem:s10], [sflag:$0x3] =	stream.linear.gather [hbm4b:s3+s2], $0x100, $0x38;
	[tilespmem:$0x6900] =	vst v63  }
0x11: {  	_ =	swait.ge [sflag:s9], $0x100  }
0x12: {  	[sflag:s9] =	ssyncset.done $0x0  }
0x13: {  	s17 =	simm.s32 $0x60;
	[sflag:s9] =	ssyncadd.s32 $0xFFFFFF00  }
0x14: {  	v0 =	vld [tilespmem:s17+$0xFFFFFFA0]  }
0x15: {  	v1 =	vld [tilespmem:$0x6800];
	_ =	sdelay $0x4  }
0x16: {  	v0 =	vadd.s32 v0, v1  }
0x17: {  	[tilespmem:s17+$0xFFFFFFA0] =	vst v0;
	v0 =	vld [tilespmem:s17+$0xFFFFFFB0]  }
0x18: {  	v1 =	vld [tilespmem:$0x6810];
	_ =	sdelay $0x4  }
0x19: {  	v0 =	vadd.s32 v0, v1  }
0x1a: {  	[tilespmem:s17+$0xFFFFFFB0] =	vst v0;
	v0 =	vld [tilespmem:s17+$0xFFFFFFC0]  }
0x1b: {  	v1 =	vld [tilespmem:$0x6820];
	_ =	sdelay $0x4  }
0x1c: {  	v0 =	vadd.s32 v0, v1  }
0x1d: {  	[tilespmem:s17+$0xFFFFFFC0] =	vst v0;
	v0 =	vld [tilespmem:s17+$0xFFFFFFD0]  }
0x1e: {  	v1 =	vld [tilespmem:$0x6830];
	_ =	sdelay $0x4  }
0x1f: {  	v0 =	vadd.s32 v0, v1  }
0x20: {  	[tilespmem:s17+$0xFFFFFFD0] =	vst v0;
	v0 =	vld [tilespmem:s17+$0xFFFFFFE0]  }
0x21: {  	v1 =	vld [tilespmem:$0x6840];
	_ =	sdelay $0x4  }
0x22: {  	v0 =	vadd.s32 v0, v1  }
0x23: {  	[tilespmem:s17+$0xFFFFFFE0] =	vst v0;
	v0 =	vld [tilespmem:s17+$0xFFFFFFF0]  }
0x24: {  	v1 =	vld [tilespmem:$0x6850];
	_ =	sdelay $0x4  }
0x25: {  	v0 =	vadd.s32 v0, v1  }
0x26: {  	[tilespmem:s17+$0xFFFFFFF0] =	vst v0;
	v0 =	vld [tilespmem:s17+$0x0]  }
0x27: {  	v1 =	vld [tilespmem:$0x6860];
	_ =	sdelay $0x4  }
0x28: {  	v0 =	vadd.s32 v0, v1  }
0x29: {  	[tilespmem:s17+$0x0] =	vst v0;
	v0 =	vld [tilespmem:s17+$0x10]  }
0x2a: {  	v1 =	vld [tilespmem:$0x6870];
	_ =	sdelay $0x4  }
0x2b: {  	v0 =	vadd.s32 v0, v1  }
0x2c: {  	s18 =	sand.u32 $0x1FF0, s2;
	[tilespmem:s17+$0x10] =	vst v0  }
0x2d: {  	v0 =	vld [tilespmem:s18+$0x80]  }
0x2e: {  	v1 =	vld [tilespmem:$0x6880];
	_ =	sdelay $0x4  }
0x2f: {  	v0 =	vadd.s32 v0, v1  }
0x30: {  	[tilespmem:s18+$0x80] =	vst v0  }
0x31: {  	v0 =	vld [tilespmem:s17+$0x30]  }
0x32: {  	v1 =	vld [tilespmem:$0x6890];
	_ =	sdelay $0x4  }
0x33: {  	v0 =	vadd.s32 v0, v1  }
0x34: {  	v1 =	vld [tilespmem:s17+$0x40];
	[tilespmem:s17+$0x30] =	vst v0  }
0x35: {  	v0 =	vld [tilespmem:$0x68A0];
	_ =	sdelay $0x4  }
0x36: {  	v0 =	vadd.s32 v1, v0  }
0x37: {  	v1 =	vld [tilespmem:s17+$0x50];
	[tilespmem:s17+$0x40] =	vst v0  }
0x38: {  	v0 =	vld [tilespmem:$0x68B0];
	_ =	sdelay $0x4  }
0x39: {  	v1 =	vadd.s32 v1, v0  }
0x3a: {  	v0 =	vld [tilespmem:s17+$0x60];
	[tilespmem:s17+$0x50] =	vst v1  }
0x3b: {  	s19 =	simm.s32 $0x60;
	s18 =	simm.s32 $0xD0;
	v1 =	vld [tilespmem:$0x68C0]  }
.LBB2_2:
0x3c: {  	_ =	sdelay $0x1  }
0x3d: {  	p0 =	sne.s32 s18, $0x1930  }
0x3e: {  	s17 =	sadd.s32 $0xD0, s17;
	s20 =	smov.u32 s18;
	s18 =	sadd.s32 $0xD0, s18  }
0x3f: {  	v0 =	vadd.s32 v0, v1  }
0x40: {  	v1 =	vld [tilespmem:s17+$0xFFFFFFA0];
	[tilespmem:s19+$0x60] =	vst v0;
	s19 =	smov.u32 s17  }
0x41: {  	v0 =	vld [tilespmem:$0x6800];
	_ =	sdelay $0x4  }
0x42: {  	v0 =	vadd.s32 v1, v0  }
0x43: {  	[tilespmem:s17+$0xFFFFFFA0] =	vst v0;
	v0 =	vld [tilespmem:s17+$0xFFFFFFB0]  }
0x44: {  	v1 =	vld [tilespmem:$0x6810];
	_ =	sdelay $0x4  }
0x45: {  	v0 =	vadd.s32 v0, v1  }
0x46: {  	[tilespmem:s17+$0xFFFFFFB0] =	vst v0;
	v0 =	vld [tilespmem:s17+$0xFFFFFFC0]  }
0x47: {  	v1 =	vld [tilespmem:$0x6820];
	_ =	sdelay $0x4  }
0x48: {  	v0 =	vadd.s32 v0, v1  }
0x49: {  	[tilespmem:s17+$0xFFFFFFC0] =	vst v0;
	v0 =	vld [tilespmem:s17+$0xFFFFFFD0]  }
0x4a: {  	v1 =	vld [tilespmem:$0x6830];
	_ =	sdelay $0x4  }
0x4b: {  	v0 =	vadd.s32 v0, v1  }
0x4c: {  	[tilespmem:s17+$0xFFFFFFD0] =	vst v0;
	v0 =	vld [tilespmem:s17+$0xFFFFFFE0]  }
0x4d: {  	v1 =	vld [tilespmem:$0x6840];
	_ =	sdelay $0x4  }
0x4e: {  	v0 =	vadd.s32 v0, v1  }
0x4f: {  	[tilespmem:s17+$0xFFFFFFE0] =	vst v0;
	v0 =	vld [tilespmem:s17+$0xFFFFFFF0]  }
0x50: {  	v1 =	vld [tilespmem:$0x6850];
	_ =	sdelay $0x4  }
0x51: {  	v0 =	vadd.s32 v0, v1  }
0x52: {  	[tilespmem:s17+$0xFFFFFFF0] =	vst v0;
	v0 =	vld [tilespmem:s17+$0x0]  }
0x53: {  	v1 =	vld [tilespmem:$0x6860];
	_ =	sdelay $0x4  }
0x54: {  	v0 =	vadd.s32 v0, v1  }
0x55: {  	[tilespmem:s17+$0x0] =	vst v0;
	v0 =	vld [tilespmem:s17+$0x10]  }
0x56: {  	v1 =	vld [tilespmem:$0x6870];
	_ =	sdelay $0x4  }
0x57: {  	v0 =	vadd.s32 v0, v1  }
0x58: {  	s20 =	sand.u32 $0x1FF0, s20;
	[tilespmem:s17+$0x10] =	vst v0  }
0x59: {  	v0 =	vld [tilespmem:s20+$0x80]  }
0x5a: {  	v1 =	vld [tilespmem:$0x6880];
	_ =	sdelay $0x4  }
0x5b: {  	v0 =	vadd.s32 v0, v1  }
0x5c: {  	[tilespmem:s20+$0x80] =	vst v0  }
0x5d: {  	v0 =	vld [tilespmem:s17+$0x30]  }
0x5e: {  	v1 =	vld [tilespmem:$0x6890];
	_ =	sdelay $0x4  }
0x5f: {  	v0 =	vadd.s32 v0, v1;
	v1 =	vld [tilespmem:s17+$0x40]  }
0x60: {  	[tilespmem:s17+$0x30] =	vst v0  }
0x61: {  	v0 =	vld [tilespmem:$0x68A0];
	_ =	sdelay $0x4  }
0x62: {  	v0 =	vadd.s32 v1, v0;
	v1 =	vld [tilespmem:s17+$0x50]  }
0x63: {  	[tilespmem:s17+$0x40] =	vst v0  }
0x64: {  	v0 =	vld [tilespmem:$0x68B0];
	_ =	sdelay $0x2  }
.Ltmp0:
0x65: {  	(pc) =	sbr.rel @p0 .LBB2_2-.Ltmp0, $4  }
0x66: {  	_ = 	snop  }
0x67: {  	v1 =	vadd.s32 v1, v0;
	v0 =	vld [tilespmem:s17+$0x60]  }
0x68: {  	[tilespmem:s17+$0x50] =	vst v1  }
0x69: {  	v1 =	vld [tilespmem:$0x68C0]  }
0x6a: {  	_ =	sdelay $0x3  }
0x6b: {  	v0 =	vadd.s32 v0, v1  }
0x6c: {  	s18 =	simm.s32 $0x1A00;
	s17 =	simm.s32 $0x1AC0;
	[tilespmem:s19+$0x60] =	vst v0  }
0x6d: {  	[tilespmem:s11], [sflag:$0x1] =	stream.indirect.gather [hbm4b:s4+s18], $0x1, s2, s18, $0xb8;
	[tilespmem:$0x6900] =	vst v63  }
0x6e: {  	v0 =	vld [tilespmem:s17+$0xFFFFFF40]  }
0x6f: {  	v1 =	vld [tilespmem:$0x6800];
	_ =	sdelay $0x4  }
0x70: {  	v0 =	vadd.s32 v0, v1  }
0x71: {  	[tilespmem:s17+$0xFFFFFF40] =	vst v0;
	v0 =	vld [tilespmem:s17+$0xFFFFFF50]  }
0x72: {  	v1 =	vld [tilespmem:$0x6810];
	_ =	sdelay $0x4  }
0x73: {  	v0 =	vadd.s32 v0, v1  }
0x74: {  	[tilespmem:s17+$0xFFFFFF50] =	vst v0;
	v0 =	vld [tilespmem:s17+$0xFFFFFF60]  }
0x75: {  	v1 =	vld [tilespmem:$0x6820];
	_ =	sdelay $0x4  }
0x76: {  	v0 =	vadd.s32 v0, v1  }
0x77: {  	[tilespmem:s17+$0xFFFFFF60] =	vst v0;
	v0 =	vld [tilespmem:s17+$0xFFFFFF70]  }
0x78: {  	v1 =	vld [tilespmem:$0x6830];
	_ =	sdelay $0x4  }
0x79: {  	v0 =	vadd.s32 v0, v1  }
0x7a: {  	[tilespmem:s17+$0xFFFFFF70] =	vst v0;
	v0 =	vld [tilespmem:s17+$0xFFFFFF80]  }
0x7b: {  	v1 =	vld [tilespmem:$0x6840];
	_ =	sdelay $0x4  }
0x7c: {  	v0 =	vadd.s32 v0, v1  }
0x7d: {  	[tilespmem:s17+$0xFFFFFF80] =	vst v0;
	v0 =	vld [tilespmem:s17+$0xFFFFFF90]  }
0x7e: {  	v1 =	vld [tilespmem:$0x6850];
	_ =	sdelay $0x4  }
0x7f: {  	v0 =	vadd.s32 v0, v1  }
0x80: {  	[tilespmem:s17+$0xFFFFFF90] =	vst v0;
	v0 =	vld [tilespmem:s17+$0xFFFFFFA0]  }
0x81: {  	v1 =	vld [tilespmem:$0x6860];
	_ =	sdelay $0x4  }
0x82: {  	v0 =	vadd.s32 v0, v1  }
0x83: {  	[tilespmem:s17+$0xFFFFFFA0] =	vst v0;
	v0 =	vld [tilespmem:s17+$0xFFFFFFB0]  }
0x84: {  	v1 =	vld [tilespmem:$0x6870];
	_ =	sdelay $0x4  }
0x85: {  	v0 =	vadd.s32 v0, v1  }
0x86: {  	s18 =	sand.u32 $0x3FF0, s18;
	[tilespmem:s17+$0xFFFFFFB0] =	vst v0  }
0x87: {  	v0 =	vld [tilespmem:s18+$0x80]  }
0x88: {  	v1 =	vld [tilespmem:$0x6880];
	_ =	sdelay $0x4  }
0x89: {  	v0 =	vadd.s32 v0, v1  }
0x8a: {  	[tilespmem:s18+$0x80] =	vst v0  }
0x8b: {  	v0 =	vld [tilespmem:s17+$0xFFFFFFD0]  }
0x8c: {  	v1 =	vld [tilespmem:$0x6890];
	_ =	sdelay $0x4  }
0x8d: {  	v0 =	vadd.s32 v0, v1  }
0x8e: {  	v1 =	vld [tilespmem:s17+$0xFFFFFFE0];
	[tilespmem:s17+$0xFFFFFFD0] =	vst v0  }
0x8f: {  	v0 =	vld [tilespmem:$0x68A0];
	_ =	sdelay $0x4  }
0x90: {  	v0 =	vadd.s32 v1, v0  }
0x91: {  	v1 =	vld [tilespmem:s17+$0xFFFFFFF0];
	[tilespmem:s17+$0xFFFFFFE0] =	vst v0  }
0x92: {  	v0 =	vld [tilespmem:$0x68B0];
	_ =	sdelay $0x4  }
0x93: {  	v1 =	vadd.s32 v1, v0  }
0x94: {  	v0 =	vld [tilespmem:s17+$0x0];
	[tilespmem:s17+$0xFFFFFFF0] =	vst v1  }
0x95: {  	s19 =	simm.s32 $0x1AC0;
	s18 =	simm.s32 $0x1AD0;
	v1 =	vld [tilespmem:$0x68C0]  }
.LBB2_4:
0x96: {  	_ =	sdelay $0x1  }
0x97: {  	p0 =	sne.s32 s18, $0x3330  }
0x98: {  	s17 =	sadd.s32 $0xD0, s17;
	s20 =	smov.u32 s18;
	s18 =	sadd.s32 $0xD0, s18  }
0x99: {  	v0 =	vadd.s32 v0, v1  }
0x9a: {  	v1 =	vld [tilespmem:s17+$0xFFFFFF40];
	[tilespmem:s19+$0x0] =	vst v0;
	s19 =	smov.u32 s17  }
0x9b: {  	v0 =	vld [tilespmem:$0x6800];
	_ =	sdelay $0x4  }
0x9c: {  	v0 =	vadd.s32 v1, v0  }
0x9d: {  	[tilespmem:s17+$0xFFFFFF40] =	vst v0;
	v0 =	vld [tilespmem:s17+$0xFFFFFF50]  }
0x9e: {  	v1 =	vld [tilespmem:$0x6810];
	_ =	sdelay $0x4  }
0x9f: {  	v0 =	vadd.s32 v0, v1  }
0xa0: {  	[tilespmem:s17+$0xFFFFFF50] =	vst v0;
	v0 =	vld [tilespmem:s17+$0xFFFFFF60]  }
0xa1: {  	v1 =	vld [tilespmem:$0x6820];
	_ =	sdelay $0x4  }
0xa2: {  	v0 =	vadd.s32 v0, v1  }
0xa3: {  	[tilespmem:s17+$0xFFFFFF60] =	vst v0;
	v0 =	vld [tilespmem:s17+$0xFFFFFF70]  }
0xa4: {  	v1 =	vld [tilespmem:$0x6830];
	_ =	sdelay $0x4  }
0xa5: {  	v0 =	vadd.s32 v0, v1  }
0xa6: {  	[tilespmem:s17+$0xFFFFFF70] =	vst v0;
	v0 =	vld [tilespmem:s17+$0xFFFFFF80]  }
0xa7: {  	v1 =	vld [tilespmem:$0x6840];
	_ =	sdelay $0x4  }
0xa8: {  	v0 =	vadd.s32 v0, v1  }
0xa9: {  	[tilespmem:s17+$0xFFFFFF80] =	vst v0;
	v0 =	vld [tilespmem:s17+$0xFFFFFF90]  }
0xaa: {  	v1 =	vld [tilespmem:$0x6850];
	_ =	sdelay $0x4  }
0xab: {  	v0 =	vadd.s32 v0, v1  }
0xac: {  	[tilespmem:s17+$0xFFFFFF90] =	vst v0;
	v0 =	vld [tilespmem:s17+$0xFFFFFFA0]  }
0xad: {  	v1 =	vld [tilespmem:$0x6860];
	_ =	sdelay $0x4  }
0xae: {  	v0 =	vadd.s32 v0, v1  }
0xaf: {  	[tilespmem:s17+$0xFFFFFFA0] =	vst v0;
	v0 =	vld [tilespmem:s17+$0xFFFFFFB0]  }
0xb0: {  	v1 =	vld [tilespmem:$0x6870];
	_ =	sdelay $0x4  }
0xb1: {  	v0 =	vadd.s32 v0, v1  }
0xb2: {  	s20 =	sand.u32 $0x3FF0, s20;
	[tilespmem:s17+$0xFFFFFFB0] =	vst v0  }
0xb3: {  	v0 =	vld [tilespmem:s20+$0x80]  }
0xb4: {  	v1 =	vld [tilespmem:$0x6880];
	_ =	sdelay $0x4  }
0xb5: {  	v0 =	vadd.s32 v0, v1  }
0xb6: {  	[tilespmem:s20+$0x80] =	vst v0  }
0xb7: {  	v0 =	vld [tilespmem:s17+$0xFFFFFFD0]  }
0xb8: {  	v1 =	vld [tilespmem:$0x6890];
	_ =	sdelay $0x4  }
0xb9: {  	v0 =	vadd.s32 v0, v1;
	v1 =	vld [tilespmem:s17+$0xFFFFFFE0]  }
0xba: {  	[tilespmem:s17+$0xFFFFFFD0] =	vst v0  }
0xbb: {  	v0 =	vld [tilespmem:$0x68A0];
	_ =	sdelay $0x4  }
0xbc: {  	v0 =	vadd.s32 v1, v0;
	v1 =	vld [tilespmem:s17+$0xFFFFFFF0]  }
0xbd: {  	[tilespmem:s17+$0xFFFFFFE0] =	vst v0  }
0xbe: {  	v0 =	vld [tilespmem:$0x68B0];
	_ =	sdelay $0x2  }
.Ltmp1:
0xbf: {  	(pc) =	sbr.rel @p0 .LBB2_4-.Ltmp1, $4  }
0xc0: {  	_ = 	snop  }
0xc1: {  	v1 =	vadd.s32 v1, v0;
	v0 =	vld [tilespmem:s17+$0x0]  }
0xc2: {  	[tilespmem:s17+$0xFFFFFFF0] =	vst v1  }
0xc3: {  	v1 =	vld [tilespmem:$0x68C0]  }
0xc4: {  	_ =	sdelay $0x3  }
0xc5: {  	v0 =	vadd.s32 v0, v1  }
0xc6: {  	[tilespmem:s19+$0x0] =	vst v0  }
0xc7: {  	[tilespmem:s13], [sflag:$0x2] =	stream.indirect.gather [hbm4b:s4+s12], $0x1, s12, s12, $0xb8;
	[tilespmem:$0x6900] =	vst v63  }
0xc8: {  	_ =	swait.ge [sflag:s14], $0x1A00  }
0xc9: {  	[sflag:s14] =	ssyncset.done $0x0  }
0xca: {  	[sflag:s14] =	ssyncadd.s32 $0xFFFFE600  }
0xcb: {  	[hbm4b:s6+s2] =	stream.linear.scatter [tilespmem:s11], [sflag:$0x3], $0x1A00, $0x38;
	[tilespmem:$0x6900] =	vst v63  }
0xcc: {  	_ =	swait.ge [sflag:s9], $0x1A00  }
0xcd: {  	[sflag:s9] =	ssyncset.done $0x0  }
0xce: {  	[sflag:s9] =	ssyncadd.s32 $0xFFFFE600  }
0xcf: {  	s16 =	sadd.s32 $0x1, s16;
	_ =	swait.ge [sflag:s15], $0x1A00  }
0xd0: {  	p0 =	sne.s32 s16, s8;
	[sflag:s15] =	ssyncset.done $0x0  }
.Ltmp2:
0xd1: {  	[sflag:s15] =	ssyncadd.s32 $0xFFFFE600;
	(pc) =	sbr.rel @p0 .LBB2_1-.Ltmp2, $4  }
0xd2: {  	[hbm4b:s7+s2] =	stream.linear.scatter [tilespmem:s13], [sflag:$0x3], $0x1A00, $0x38;
	[tilespmem:$0x6900] =	vst v63  }
0xd3: {  	_ =	swait.ge [sflag:s9], $0x1A00  }
0xd4: {  	[sflag:s9] =	ssyncset.done $0x0  }
0xd5: {  	[sflag:s9] =	ssyncadd.s32 $0xFFFFE600  }
0xd6: {  	_ =	sfence.sel $0x180000  }
0xd7: {  	[bflag:$0x0] =	sbarrier.arrive $0xFFFF  }
0xd8: {  	p0 =	sne.s32 s0, $0x0;
	_ =	strace $0x90000047  }
0xd9: {  	s0 =	sadd.s32 @!p0 $0x100000, s1;
	[bflag:$0x2] =	sbarrier.arrive $0xFFFF  }
0xda: {  	[sflag:s0] =	ssyncadd.tile.s32 @!p0 $0x1;
	_ =	shalt  }
.Lfunc_end2:
_tile_overlayer_lowered:
.L_overlay_start_2:
0xdb: {  	(tag) =	ssettag $0x2  }
0xdc: {  	s0 =	rddreg [dreg:$0x0];
	s2 =	stileid.u32  }
0xdd: {  	s1 =	rddreg [dreg:$0x1];
	p0 =	sne.s32 s2, $0x0  }
0xde: {  	s3 =	rddreg [dreg:$0x2];
	[bflag:$0x3] =	sbarrier.arrive $0xFFFF;
	s2 =	simm.s32 @!p0 $0x1C03  }
0xdf: {  	[timem:s3], [sflag:s2] =	dma.local @!p0 [hbm:s0], s1  }
0xe0: {  	s0 =	simm.s32 @!p0 $0x3  }
0xe1: {  	_ =	swait.ge @!p0 [sflag:s0], s1  }
0xe2: {  	s1 =	ssub.s32 @!p0 $0x0, s1;
	[sflag:s0] =	ssyncset.done @!p0 $0x0  }
0xe3: {  	[sflag:s0] =	ssyncadd.s32 @!p0 s1  }
0xe4: {  	[bflag:$0x3] =	sbarrier.arrive $0xFFFF  }
0xe5: {  	_ =	shalt  }

</sc_bundles>
